<compile_context>
chip_gen: v7x
topology: tpu7x:2x2x1
jax: 0.10.2.dev20260603
libtpu: 0.0.44.dev20260713+nightly
codegen_flags: <defaults>
</compile_context>

<pallas_src>
import functools

import jax
import jax.numpy as jnp
from jax import lax
from jax.experimental import pallas as pl
from jax.experimental.pallas import tpu as pltpu, tpu_sc as plsc

NUM_GRAPHS = 512
N_NODES = 100000
DIM = 128

SC_ROWS = 28000
CHUNK = 80
NUM_SC_CHUNKS = SC_ROWS // CHUNK
NUM_WORKERS = 32
CPW = 12
NBUF = 3

TC_BLOCK = 4000
TC_STEPS = 9
TC_OFF_A = SC_ROWS // TC_BLOCK
TC_OFF_B = TC_OFF_A + TC_STEPS
WIN = 64
ROWS_PER_TILE = NUM_GRAPHS // 16


def _windowed_accum(seg, emb, out_ref):
    dn = (((1,), (0,)), ((), ()))
    base = jnp.minimum((jnp.min(seg) // 8) * 8, NUM_GRAPHS - WIN)
    span_ok = (jnp.max(seg) - base) < WIN

    @pl.when(span_ok)
    def _():
        iota = jax.lax.broadcasted_iota(jnp.int32, (WIN, TC_BLOCK), 0)
        onehot = ((seg - base)[None, :] == iota).astype(jnp.float32)
        out_ref[pl.ds(base, WIN), :] += jax.lax.dot_general(
            onehot, emb, dimension_numbers=dn,
            preferred_element_type=jnp.float32)

    @pl.when(jnp.logical_not(span_ok))
    def _():
        iota = jax.lax.broadcasted_iota(jnp.int32, (NUM_GRAPHS, TC_BLOCK), 0)
        onehot = (seg[None, :] == iota).astype(jnp.float32)
        out_ref[...] += jax.lax.dot_general(
            onehot, emb, dimension_numbers=dn,
            preferred_element_type=jnp.float32)


def _tc_segsum_body(bva_ref, emba_ref, bvb_ref, embb_ref, out_ref):
    i = pl.program_id(0)

    @pl.when(i == 0)
    def _():
        out_ref[...] = jnp.zeros_like(out_ref)

    _windowed_accum(bva_ref[0, 0, :], emba_ref[...], out_ref)
    _windowed_accum(bvb_ref[0, 0, :], embb_ref[...], out_ref)


def _mlp_body(p_ref, gtc_ref, vn_ref, w1_ref, b1_ref, g1_ref, be1_ref,
              w2_ref, b2_ref, g2_ref, be2_ref, out_ref):
    vn = (vn_ref[...] + gtc_ref[...]
          + p_ref[:NUM_GRAPHS] + p_ref[NUM_GRAPHS:])
    h = jax.lax.dot_general(
        vn, w1_ref[...], dimension_numbers=(((1,), (1,)), ((), ())),
        preferred_element_type=jnp.float32,
    ) + b1_ref[...]
    mu = jnp.mean(h, axis=0, keepdims=True)
    var = jnp.mean((h - mu) ** 2, axis=0, keepdims=True)
    h = g1_ref[...] * (h - mu) * jax.lax.rsqrt(var + 1e-5) + be1_ref[...]
    h = jnp.maximum(h, 0.0)
    h = jax.lax.dot_general(
        h, w2_ref[...], dimension_numbers=(((1,), (1,)), ((), ())),
        preferred_element_type=jnp.float32,
    ) + b2_ref[...]
    mu2 = jnp.mean(h, axis=0, keepdims=True)
    var2 = jnp.mean((h - mu2) ** 2, axis=0, keepdims=True)
    h = g2_ref[...] * (h - mu2) * jax.lax.rsqrt(var2 + 1e-5) + be2_ref[...]
    out_ref[...] = jnp.maximum(h, 0.0)


def _make_sc_segsum():
    mesh = plsc.VectorSubcoreMesh(core_axis_name="c", subcore_axis_name="s")

    @functools.partial(
        pl.kernel,
        mesh=mesh,
        out_type=jax.ShapeDtypeStruct((2 * NUM_GRAPHS, DIM), jnp.float32),
        scratch_types=[
            *[pltpu.VMEM((CHUNK, DIM), jnp.float32) for _ in range(NBUF)],
            *[pltpu.VMEM((CHUNK,), jnp.int32) for _ in range(NBUF)],
            pltpu.VMEM_SHARED((NUM_GRAPHS, DIM), jnp.float32),
            *[pltpu.SemaphoreType.DMA for _ in range(2 * NBUF)],
        ],
    )
    def segsum(emb_hbm, bv_hbm, zeros_hbm, out_hbm, *rest):
        bufs = rest[:NBUF]
        ibufs = rest[NBUF:2 * NBUF]
        acc_sh = rest[2 * NBUF]
        gsems = rest[2 * NBUF + 1:3 * NBUF + 1]
        isems = rest[3 * NBUF + 1:]

        cid = lax.axis_index("c")
        sid = lax.axis_index("s")
        wid = sid * 2 + cid
        c0 = wid * CPW

        r0 = sid * ROWS_PER_TILE
        pltpu.sync_copy(zeros_hbm.at[pl.ds(r0, ROWS_PER_TILE)],
                        acc_sh.at[pl.ds(r0, ROWS_PER_TILE)])
        plsc.subcore_barrier()

        def start_chunk(c, b):
            base = c * CHUNK
            pltpu.async_copy(emb_hbm.at[pl.ds(base, CHUNK)],
                             bufs[b], gsems[b])
            pltpu.async_copy(bv_hbm.at[pl.ds(base, CHUNK)],
                             ibufs[b], isems[b])

        for b in range(NBUF):
            @pl.when(c0 + b < NUM_SC_CHUNKS)
            def _(b=b):
                start_chunk(c0 + b, b)

        def group(g, carry):
            for b in range(NBUF):
                cl = g * NBUF + b

                @pl.when(c0 + cl < NUM_SC_CHUNKS)
                def _(b=b, cl=cl):
                    pltpu.make_async_copy(
                        emb_hbm.at[pl.ds(0, CHUNK)], bufs[b], gsems[b]).wait()
                    pltpu.make_async_copy(
                        bv_hbm.at[pl.ds(0, CHUNK)], ibufs[b],
                        isems[b]).wait()
                    pltpu.sync_copy(bufs[b], acc_sh.at[ibufs[b]], add=True)

                    @pl.when((cl + NBUF < CPW)
                             & (c0 + cl + NBUF < NUM_SC_CHUNKS))
                    def _():
                        start_chunk(c0 + cl + NBUF, b)

            return carry

        lax.fori_loop(0, CPW // NBUF, group, 0)
        plsc.subcore_barrier()
        pltpu.sync_copy(
            acc_sh.at[pl.ds(r0, ROWS_PER_TILE)],
            out_hbm.at[pl.ds(cid * NUM_GRAPHS + r0, ROWS_PER_TILE)])

    return segsum


_sc_segsum = _make_sc_segsum()


@jax.jit
def kernel(virtual_node, embeddings, batch_vector, W1, b1, g1, be1,
           W2, b2, g2, be2):
    bv = batch_vector.astype(jnp.int32)
    zeros = jnp.zeros((NUM_GRAPHS, DIM), jnp.float32)

    bv3d = bv.reshape(N_NODES // TC_BLOCK, 1, TC_BLOCK)
    g_tc = pl.pallas_call(
        _tc_segsum_body,
        grid=(TC_STEPS,),
        in_specs=[
            pl.BlockSpec((1, 1, TC_BLOCK), lambda i: (i + TC_OFF_A, 0, 0)),
            pl.BlockSpec((TC_BLOCK, DIM), lambda i: (i + TC_OFF_A, 0)),
            pl.BlockSpec((1, 1, TC_BLOCK), lambda i: (i + TC_OFF_B, 0, 0)),
            pl.BlockSpec((TC_BLOCK, DIM), lambda i: (i + TC_OFF_B, 0)),
        ],
        out_specs=pl.BlockSpec((NUM_GRAPHS, DIM), lambda i: (0, 0)),
        out_shape=jax.ShapeDtypeStruct((NUM_GRAPHS, DIM), jnp.float32),
    )(bv3d, embeddings, bv3d, embeddings)

    partials = _sc_segsum(embeddings, bv, zeros)

    full = lambda s: pl.BlockSpec(s, lambda: (0,) * len(s))
    out = pl.pallas_call(
        _mlp_body,
        in_specs=[
            full((2 * NUM_GRAPHS, DIM)), full((NUM_GRAPHS, DIM)),
            full((NUM_GRAPHS, DIM)),
            full((2 * DIM, DIM)), full((1, 2 * DIM)), full((1, 2 * DIM)),
            full((1, 2 * DIM)),
            full((DIM, 2 * DIM)), full((1, DIM)), full((1, DIM)),
            full((1, DIM)),
        ],
        out_specs=full((NUM_GRAPHS, DIM)),
        out_shape=jax.ShapeDtypeStruct((NUM_GRAPHS, DIM), jnp.float32),
    )(partials, g_tc, virtual_node, W1, b1.reshape(1, -1), g1.reshape(1, -1),
      be1.reshape(1, -1), W2, b2.reshape(1, -1), g2.reshape(1, -1),
      be2.reshape(1, -1))
    return out

# --- scband reference (transcript-rebuilt; emitter-appended) ---
"""Pipeline reference for scband-vnagg-14242111554125 (READ-ONLY COPY).

The authoritative reference and input builder live on the scoring server;
editing this copy changes nothing except your own understanding.
"""

import jax, jax.numpy as jnp
import numpy as np

NUM_GRAPHS = 512
N_NODES = 100000
DIM = 128


def batchnorm_train(x, gamma, beta, eps=1e-5):
    mu = jnp.mean(x, axis=0)
    var = jnp.var(x, axis=0)  # biased variance, as PyTorch uses for normalization
    return gamma * (x - mu) / jnp.sqrt(var + eps) + beta


def setup_inputs(seed: int = 0) -> dict:
    key = jax.random.key(seed)
    ks = jax.random.split(key, 8)
    virtual_node = jax.random.normal(ks[0], (NUM_GRAPHS, DIM), dtype=jnp.float32)
    embeddings = jax.random.normal(ks[1], (N_NODES, DIM), dtype=jnp.float32)
    batch_vector = jnp.sort(jax.random.randint(ks[2], (N_NODES,), 0, NUM_GRAPHS)).astype(jnp.int64)
    # MLP params: Linear(dim, 2*dim) -> BN(2*dim) -> ReLU -> Linear(2*dim, dim); then BN(dim) -> ReLU
    W1 = jax.random.normal(ks[3], (2 * DIM, DIM), dtype=jnp.float32) * (1.0 / np.sqrt(DIM))
    b1 = jnp.zeros((2 * DIM,), dtype=jnp.float32)
    g1 = jnp.ones((2 * DIM,), dtype=jnp.float32)
    be1 = jnp.zeros((2 * DIM,), dtype=jnp.float32)
    W2 = jax.random.normal(ks[4], (DIM, 2 * DIM), dtype=jnp.float32) * (1.0 / np.sqrt(2 * DIM))
    b2 = jnp.zeros((DIM,), dtype=jnp.float32)
    g2 = jnp.ones((DIM,), dtype=jnp.float32)
    be2 = jnp.zeros((DIM,), dtype=jnp.float32)
    return {
        "virtual_node": virtual_node,
        "embeddings": embeddings,
        "batch_vector": batch_vector,
        "W1": W1, "b1": b1, "g1": g1, "be1": be1,
        "W2": W2, "b2": b2, "g2": g2, "be2": be2,
    }


def reference(virtual_node, embeddings, batch_vector, W1, b1, g1, be1, W2, b2, g2, be2):
    # global_add_pool: segment-sum node embeddings by graph id
    G = jax.ops.segment_sum(embeddings, batch_vector, num_segments=NUM_GRAPHS)
    vn = virtual_node + G
    # MLP: Linear -> BN -> ReLU -> Linear
    h = vn @ W1.T + b1
    h = batchnorm_train(h, g1, be1)
    h = jax.nn.relu(h)
    h = h @ W2.T + b2
    # outer Sequential: BN -> ReLU
    h = batchnorm_train(h, g2, be2)
    h = jax.nn.relu(h)
    return h

if __name__ == "__main__":
    import jax
    _d = setup_inputs()
    print(jax.jit(kernel)(*tuple(_d.values())))

</pallas_src>

<mosaic_0001>
#map = affine_map<(d0, d1) -> (0, 0)>
#map1 = affine_map<(d0, d1) -> (0)>
module attributes {stable_mosaic.version = 14 : i64} {
  func.func @segsum(%arg0: i32, %arg1: i32, %arg2: memref<100000x128xf32, #tpu.memory_space<hbm>>, %arg3: memref<100000xi32, #tpu.memory_space<hbm>>, %arg4: memref<512x128xf32, #tpu.memory_space<hbm>>, %arg5: memref<1024x128xf32, #tpu.memory_space<hbm>>, %arg6: memref<80x128xf32, #tpu.memory_space<vmem>>, %arg7: memref<80x128xf32, #tpu.memory_space<vmem>>, %arg8: memref<80x128xf32, #tpu.memory_space<vmem>>, %arg9: memref<80xi32, #tpu.memory_space<vmem>>, %arg10: memref<80xi32, #tpu.memory_space<vmem>>, %arg11: memref<80xi32, #tpu.memory_space<vmem>>, %arg12: memref<512x128xf32, #tpu.memory_space<vmem_shared>>, %arg13: memref<!tpu.dma_semaphore, #tpu.memory_space<semaphore_mem>>, %arg14: memref<!tpu.dma_semaphore, #tpu.memory_space<semaphore_mem>>, %arg15: memref<!tpu.dma_semaphore, #tpu.memory_space<semaphore_mem>>, %arg16: memref<!tpu.dma_semaphore, #tpu.memory_space<semaphore_mem>>, %arg17: memref<!tpu.dma_semaphore, #tpu.memory_space<semaphore_mem>>, %arg18: memref<!tpu.dma_semaphore, #tpu.memory_space<semaphore_mem>>) attributes {dimension_semantics = [#tpu.dimension_semantics<core_parallel>, #tpu.dimension_semantics<subcore_parallel>], iteration_bounds = array<i64: 2, 16>, scalar_prefetch = 0 : i64, scratch_operands = 13 : i64, tpu.core_type = #tpu.core_type<sc_vector_subcore>, window_params = [{transform_indices = #map}, {transform_indices = #map1}, {transform_indices = #map}, {transform_indices = #map}]} {
    %mul3A = arith.constant 2 : i32
    %mul3A_0 = arith.muli %arg1, %mul3A : i32
    %add3A = arith.addi %mul3A_0, %arg0 : i32
    %mul3A_1 = arith.constant 12 : i32
    %mul3A_2 = arith.muli %add3A, %mul3A_1 : i32
    %mul3A_3 = arith.constant 32 : i32
    %mul3A_4 = arith.muli %arg1, %mul3A_3 : i32
    "tpu.region"() ({
      %run_scoped3A = tpu.sem_alloc : memref<!tpu.dma_semaphore, #tpu.memory_space<semaphore_mem>>
      %dma_start3A = arith.constant 0 : i32
      %dma_start3A_32 = tpu.memref_slice %arg12[%mul3A_4, %dma_start3A] : memref<512x128xf32, #tpu.memory_space<vmem_shared>> -> memref<32x128xf32, #tpu.memory_space<vmem_shared>>
      %dma_start3A_33 = arith.constant 0 : i32
      %dma_start3A_34 = tpu.memref_slice %arg4[%mul3A_4, %dma_start3A_33] : memref<512x128xf32, #tpu.memory_space<hbm>> -> memref<32x128xf32, #tpu.memory_space<hbm>>
      tpu.enqueue_dma source(%dma_start3A_34 : memref<32x128xf32, #tpu.memory_space<hbm>>) target(%dma_start3A_32 : memref<32x128xf32, #tpu.memory_space<vmem_shared>>) target_semaphore(%run_scoped3A : memref<!tpu.dma_semaphore, #tpu.memory_space<semaphore_mem>>)
      %dma_wait3A = arith.constant 0 : i32
      %dma_wait3A_35 = tpu.memref_slice %arg12[%mul3A_4, %dma_wait3A] : memref<512x128xf32, #tpu.memory_space<vmem_shared>> -> memref<32x128xf32, #tpu.memory_space<vmem_shared>>
      %dma_wait3A_36 = arith.constant 0 : i32
      %dma_wait3A_37 = tpu.memref_slice %arg4[%mul3A_4, %dma_wait3A_36] : memref<512x128xf32, #tpu.memory_space<hbm>> -> memref<32x128xf32, #tpu.memory_space<hbm>>
      tpu.wait_dma2 semaphore(%run_scoped3A : memref<!tpu.dma_semaphore, #tpu.memory_space<semaphore_mem>>) src(%dma_wait3A_37 : memref<32x128xf32, #tpu.memory_space<hbm>>) dst(%dma_wait3A_35 : memref<32x128xf32, #tpu.memory_space<vmem_shared>>)
      tpu.yield
    }) : () -> ()
    %barrier3A = arith.constant 0 : index
    tpu.barrier barrier_id(%barrier3A)
    %add3A_5 = arith.constant 0 : i32
    %add3A_6 = arith.addi %mul3A_2, %add3A_5 : i32
    %lt3A = arith.constant 350 : i32
    %lt3A_7 = arith.cmpi slt, %add3A_6, %lt3A : i32
    %convert_element_type3A = arith.extui %lt3A_7 : i1 to i32
    %cond3A = arith.constant 0 : i32
    %cond3A_8 = arith.cmpi ne, %convert_element_type3A, %cond3A : i32
    scf.if %cond3A_8 {
      %add3A_32 = arith.constant 0 : i32
      %add3A_33 = arith.addi %mul3A_2, %add3A_32 : i32
      %mul3A_34 = arith.constant 80 : i32
      %mul3A_35 = arith.muli %add3A_33, %mul3A_34 : i32
      %dma_start3A = arith.constant 0 : i32
      %dma_start3A_36 = tpu.memref_slice %arg2[%mul3A_35, %dma_start3A] : memref<100000x128xf32, #tpu.memory_space<hbm>> -> memref<80x128xf32, #tpu.memory_space<hbm>>
      %dma_start3A_37 = arith.constant 0 : i32
      %dma_start3A_38 = tpu.memref_slice %arg2[%mul3A_35, %dma_start3A_37] : memref<100000x128xf32, #tpu.memory_space<hbm>> -> memref<80x128xf32, #tpu.memory_space<hbm>>
      tpu.enqueue_dma source(%dma_start3A_38 : memref<80x128xf32, #tpu.memory_space<hbm>>) target(%arg6 : memref<80x128xf32, #tpu.memory_space<vmem>>) target_semaphore(%arg13 : memref<!tpu.dma_semaphore, #tpu.memory_space<semaphore_mem>>)
      %dma_start3A_39 = tpu.memref_slice %arg3[%mul3A_35] : memref<100000xi32, #tpu.memory_space<hbm>> -> memref<80xi32, #tpu.memory_space<hbm>>
      %dma_start3A_40 = tpu.memref_slice %arg3[%mul3A_35] : memref<100000xi32, #tpu.memory_space<hbm>> -> memref<80xi32, #tpu.memory_space<hbm>>
      tpu.enqueue_dma source(%dma_start3A_40 : memref<80xi32, #tpu.memory_space<hbm>>) target(%arg9 : memref<80xi32, #tpu.memory_space<vmem>>) target_semaphore(%arg16 : memref<!tpu.dma_semaphore, #tpu.memory_space<semaphore_mem>>)
    } else {
    }
    %add3A_9 = arith.constant 1 : i32
    %add3A_10 = arith.addi %mul3A_2, %add3A_9 : i32
    %lt3A_11 = arith.constant 350 : i32
    %lt3A_12 = arith.cmpi slt, %add3A_10, %lt3A_11 : i32
    %convert_element_type3A_13 = arith.extui %lt3A_12 : i1 to i32
    %cond3A_14 = arith.constant 0 : i32
    %cond3A_15 = arith.cmpi ne, %convert_element_type3A_13, %cond3A_14 : i32
    scf.if %cond3A_15 {
      %add3A_32 = arith.constant 1 : i32
      %add3A_33 = arith.addi %mul3A_2, %add3A_32 : i32
      %mul3A_34 = arith.constant 80 : i32
      %mul3A_35 = arith.muli %add3A_33, %mul3A_34 : i32
      %dma_start3A = arith.constant 0 : i32
      %dma_start3A_36 = tpu.memref_slice %arg2[%mul3A_35, %dma_start3A] : memref<100000x128xf32, #tpu.memory_space<hbm>> -> memref<80x128xf32, #tpu.memory_space<hbm>>
      %dma_start3A_37 = arith.constant 0 : i32
      %dma_start3A_38 = tpu.memref_slice %arg2[%mul3A_35, %dma_start3A_37] : memref<100000x128xf32, #tpu.memory_space<hbm>> -> memref<80x128xf32, #tpu.memory_space<hbm>>
      tpu.enqueue_dma source(%dma_start3A_38 : memref<80x128xf32, #tpu.memory_space<hbm>>) target(%arg7 : memref<80x128xf32, #tpu.memory_space<vmem>>) target_semaphore(%arg14 : memref<!tpu.dma_semaphore, #tpu.memory_space<semaphore_mem>>)
      %dma_start3A_39 = tpu.memref_slice %arg3[%mul3A_35] : memref<100000xi32, #tpu.memory_space<hbm>> -> memref<80xi32, #tpu.memory_space<hbm>>
      %dma_start3A_40 = tpu.memref_slice %arg3[%mul3A_35] : memref<100000xi32, #tpu.memory_space<hbm>> -> memref<80xi32, #tpu.memory_space<hbm>>
      tpu.enqueue_dma source(%dma_start3A_40 : memref<80xi32, #tpu.memory_space<hbm>>) target(%arg10 : memref<80xi32, #tpu.memory_space<vmem>>) target_semaphore(%arg17 : memref<!tpu.dma_semaphore, #tpu.memory_space<semaphore_mem>>)
    } else {
    }
    %add3A_16 = arith.constant 2 : i32
    %add3A_17 = arith.addi %mul3A_2, %add3A_16 : i32
    %lt3A_18 = arith.constant 350 : i32
    %lt3A_19 = arith.cmpi slt, %add3A_17, %lt3A_18 : i32
    %convert_element_type3A_20 = arith.extui %lt3A_19 : i1 to i32
    %cond3A_21 = arith.constant 0 : i32
    %cond3A_22 = arith.cmpi ne, %convert_element_type3A_20, %cond3A_21 : i32
    scf.if %cond3A_22 {
      %add3A_32 = arith.constant 2 : i32
      %add3A_33 = arith.addi %mul3A_2, %add3A_32 : i32
      %mul3A_34 = arith.constant 80 : i32
      %mul3A_35 = arith.muli %add3A_33, %mul3A_34 : i32
      %dma_start3A = arith.constant 0 : i32
      %dma_start3A_36 = tpu.memref_slice %arg2[%mul3A_35, %dma_start3A] : memref<100000x128xf32, #tpu.memory_space<hbm>> -> memref<80x128xf32, #tpu.memory_space<hbm>>
      %dma_start3A_37 = arith.constant 0 : i32
      %dma_start3A_38 = tpu.memref_slice %arg2[%mul3A_35, %dma_start3A_37] : memref<100000x128xf32, #tpu.memory_space<hbm>> -> memref<80x128xf32, #tpu.memory_space<hbm>>
      tpu.enqueue_dma source(%dma_start3A_38 : memref<80x128xf32, #tpu.memory_space<hbm>>) target(%arg8 : memref<80x128xf32, #tpu.memory_space<vmem>>) target_semaphore(%arg15 : memref<!tpu.dma_semaphore, #tpu.memory_space<semaphore_mem>>)
      %dma_start3A_39 = tpu.memref_slice %arg3[%mul3A_35] : memref<100000xi32, #tpu.memory_space<hbm>> -> memref<80xi32, #tpu.memory_space<hbm>>
      %dma_start3A_40 = tpu.memref_slice %arg3[%mul3A_35] : memref<100000xi32, #tpu.memory_space<hbm>> -> memref<80xi32, #tpu.memory_space<hbm>>
      tpu.enqueue_dma source(%dma_start3A_40 : memref<80xi32, #tpu.memory_space<hbm>>) target(%arg11 : memref<80xi32, #tpu.memory_space<vmem>>) target_semaphore(%arg18 : memref<!tpu.dma_semaphore, #tpu.memory_space<semaphore_mem>>)
    } else {
    }
    %scan3A = arith.constant 0 : i32
    %scan3A_23 = arith.constant 0 : i32
    %scan3A_24 = arith.constant 4 : i32
    %scan3A_25 = arith.addi %scan3A_23, %scan3A_24 : i32
    %scan3A_26 = arith.constant 1 : i32
    scf.for %scan3A_32 = %scan3A_23 to %scan3A_25 step %scan3A_26  : i32 {
      %mul3A_33 = arith.constant 3 : i32
      %mul3A_34 = arith.muli %scan3A_32, %mul3A_33 : i32
      %add3A_35 = arith.constant 0 : i32
      %add3A_36 = arith.addi %mul3A_34, %add3A_35 : i32
      %add3A_37 = arith.addi %mul3A_2, %add3A_36 : i32
      %lt3A_38 = arith.constant 350 : i32
      %lt3A_39 = arith.cmpi slt, %add3A_37, %lt3A_38 : i32
      %convert_element_type3A_40 = arith.extui %lt3A_39 : i1 to i32
      %cond3A_41 = arith.constant 0 : i32
      %cond3A_42 = arith.cmpi ne, %convert_element_type3A_40, %cond3A_41 : i32
      scf.if %cond3A_42 {
        %dma_wait3A = arith.constant 0 : i32
        %dma_wait3A_63 = arith.constant 0 : i32
        %dma_wait3A_64 = tpu.memref_slice %arg2[%dma_wait3A, %dma_wait3A_63] : memref<100000x128xf32, #tpu.memory_space<hbm>> -> memref<80x128xf32, #tpu.memory_space<hbm>>
        %dma_wait3A_65 = arith.constant 0 : i32
        %dma_wait3A_66 = arith.constant 0 : i32
        %dma_wait3A_67 = tpu.memref_slice %arg2[%dma_wait3A_65, %dma_wait3A_66] : memref<100000x128xf32, #tpu.memory_space<hbm>> -> memref<80x128xf32, #tpu.memory_space<hbm>>
        tpu.wait_dma2 semaphore(%arg13 : memref<!tpu.dma_semaphore, #tpu.memory_space<semaphore_mem>>) src(%dma_wait3A_67 : memref<80x128xf32, #tpu.memory_space<hbm>>) dst(%arg6 : memref<80x128xf32, #tpu.memory_space<vmem>>)
        %dma_wait3A_68 = arith.constant 0 : i32
        %dma_wait3A_69 = tpu.memref_slice %arg3[%dma_wait3A_68] : memref<100000xi32, #tpu.memory_space<hbm>> -> memref<80xi32, #tpu.memory_space<hbm>>
        %dma_wait3A_70 = arith.constant 0 : i32
        %dma_wait3A_71 = tpu.memref_slice %arg3[%dma_wait3A_70] : memref<100000xi32, #tpu.memory_space<hbm>> -> memref<80xi32, #tpu.memory_space<hbm>>
        tpu.wait_dma2 semaphore(%arg16 : memref<!tpu.dma_semaphore, #tpu.memory_space<semaphore_mem>>) src(%dma_wait3A_71 : memref<80xi32, #tpu.memory_space<hbm>>) dst(%arg9 : memref<80xi32, #tpu.memory_space<vmem>>)
        "tpu.region"() ({
          %run_scoped3A = tpu.sem_alloc : memref<!tpu.dma_semaphore, #tpu.memory_space<semaphore_mem>>
          %dma_start3A = arith.constant 0 : i32
          %dma_start3A_84 = arith.constant 0 : i32
          %dma_start3A_85 = tpu.memref_slice %arg12[%dma_start3A, %dma_start3A_84] : memref<512x128xf32, #tpu.memory_space<vmem_shared>> -> memref<512x128xf32, #tpu.memory_space<vmem_shared>>
          tpu.enqueue_indirect_dma source(%arg6 : memref<80x128xf32, #tpu.memory_space<vmem>>) target(%dma_start3A_85 : memref<512x128xf32, #tpu.memory_space<vmem_shared>>) offsets(%arg9 : memref<80xi32, #tpu.memory_space<vmem>>) semaphore(%run_scoped3A : memref<!tpu.dma_semaphore, #tpu.memory_space<semaphore_mem>>) {add = true}
          %dma_wait3A_86 = arith.constant 0 : i32
          %dma_wait3A_87 = arith.constant 0 : i32
          %dma_wait3A_88 = tpu.memref_slice %arg12[%dma_wait3A_86, %dma_wait3A_87] : memref<512x128xf32, #tpu.memory_space<vmem_shared>> -> memref<512x128xf32, #tpu.memory_space<vmem_shared>>
          tpu.wait_indirect_dma semaphore(%run_scoped3A : memref<!tpu.dma_semaphore, #tpu.memory_space<semaphore_mem>>) src(%arg6 : memref<80x128xf32, #tpu.memory_space<vmem>>) dst(%dma_wait3A_88 : memref<512x128xf32, #tpu.memory_space<vmem_shared>>)
          tpu.yield
        }) : () -> ()
        %add3A_72 = arith.constant 3 : i32
        %add3A_73 = arith.addi %add3A_36, %add3A_72 : i32
        %lt3A_74 = arith.constant 12 : i32
        %lt3A_75 = arith.cmpi slt, %add3A_73, %lt3A_74 : i32
        %add3A_76 = arith.addi %mul3A_2, %add3A_36 : i32
        %add3A_77 = arith.constant 3 : i32
        %add3A_78 = arith.addi %add3A_76, %add3A_77 : i32
        %lt3A_79 = arith.constant 350 : i32
        %lt3A_80 = arith.cmpi slt, %add3A_78, %lt3A_79 : i32
        %and3A = arith.andi %lt3A_75, %lt3A_80 : i1
        %convert_element_type3A_81 = arith.extui %and3A : i1 to i32
        %cond3A_82 = arith.constant 0 : i32
        %cond3A_83 = arith.cmpi ne, %convert_element_type3A_81, %cond3A_82 : i32
        scf.if %cond3A_83 {
          %add3A_84 = arith.addi %mul3A_2, %add3A_36 : i32
          %add3A_85 = arith.constant 3 : i32
          %add3A_86 = arith.addi %add3A_84, %add3A_85 : i32
          %mul3A_87 = arith.constant 80 : i32
          %mul3A_88 = arith.muli %add3A_86, %mul3A_87 : i32
          %dma_start3A = arith.constant 0 : i32
          %dma_start3A_89 = tpu.memref_slice %arg2[%mul3A_88, %dma_start3A] : memref<100000x128xf32, #tpu.memory_space<hbm>> -> memref<80x128xf32, #tpu.memory_space<hbm>>
          %dma_start3A_90 = arith.constant 0 : i32
          %dma_start3A_91 = tpu.memref_slice %arg2[%mul3A_88, %dma_start3A_90] : memref<100000x128xf32, #tpu.memory_space<hbm>> -> memref<80x128xf32, #tpu.memory_space<hbm>>
          tpu.enqueue_dma source(%dma_start3A_91 : memref<80x128xf32, #tpu.memory_space<hbm>>) target(%arg6 : memref<80x128xf32, #tpu.memory_space<vmem>>) target_semaphore(%arg13 : memref<!tpu.dma_semaphore, #tpu.memory_space<semaphore_mem>>)
          %dma_start3A_92 = tpu.memref_slice %arg3[%mul3A_88] : memref<100000xi32, #tpu.memory_space<hbm>> -> memref<80xi32, #tpu.memory_space<hbm>>
          %dma_start3A_93 = tpu.memref_slice %arg3[%mul3A_88] : memref<100000xi32, #tpu.memory_space<hbm>> -> memref<80xi32, #tpu.memory_space<hbm>>
          tpu.enqueue_dma source(%dma_start3A_93 : memref<80xi32, #tpu.memory_space<hbm>>) target(%arg9 : memref<80xi32, #tpu.memory_space<vmem>>) target_semaphore(%arg16 : memref<!tpu.dma_semaphore, #tpu.memory_space<semaphore_mem>>)
        } else {
        }
      } else {
      }
      %mul3A_43 = arith.constant 3 : i32
      %mul3A_44 = arith.muli %scan3A_32, %mul3A_43 : i32
      %add3A_45 = arith.constant 1 : i32
      %add3A_46 = arith.addi %mul3A_44, %add3A_45 : i32
      %add3A_47 = arith.addi %mul3A_2, %add3A_46 : i32
      %lt3A_48 = arith.constant 350 : i32
      %lt3A_49 = arith.cmpi slt, %add3A_47, %lt3A_48 : i32
      %convert_element_type3A_50 = arith.extui %lt3A_49 : i1 to i32
      %cond3A_51 = arith.constant 0 : i32
      %cond3A_52 = arith.cmpi ne, %convert_element_type3A_50, %cond3A_51 : i32
      scf.if %cond3A_52 {
        %dma_wait3A = arith.constant 0 : i32
        %dma_wait3A_63 = arith.constant 0 : i32
        %dma_wait3A_64 = tpu.memref_slice %arg2[%dma_wait3A, %dma_wait3A_63] : memref<100000x128xf32, #tpu.memory_space<hbm>> -> memref<80x128xf32, #tpu.memory_space<hbm>>
        %dma_wait3A_65 = arith.constant 0 : i32
        %dma_wait3A_66 = arith.constant 0 : i32
        %dma_wait3A_67 = tpu.memref_slice %arg2[%dma_wait3A_65, %dma_wait3A_66] : memref<100000x128xf32, #tpu.memory_space<hbm>> -> memref<80x128xf32, #tpu.memory_space<hbm>>
        tpu.wait_dma2 semaphore(%arg14 : memref<!tpu.dma_semaphore, #tpu.memory_space<semaphore_mem>>) src(%dma_wait3A_67 : memref<80x128xf32, #tpu.memory_space<hbm>>) dst(%arg7 : memref<80x128xf32, #tpu.memory_space<vmem>>)
        %dma_wait3A_68 = arith.constant 0 : i32
        %dma_wait3A_69 = tpu.memref_slice %arg3[%dma_wait3A_68] : memref<100000xi32, #tpu.memory_space<hbm>> -> memref<80xi32, #tpu.memory_space<hbm>>
        %dma_wait3A_70 = arith.constant 0 : i32
        %dma_wait3A_71 = tpu.memref_slice %arg3[%dma_wait3A_70] : memref<100000xi32, #tpu.memory_space<hbm>> -> memref<80xi32, #tpu.memory_space<hbm>>
        tpu.wait_dma2 semaphore(%arg17 : memref<!tpu.dma_semaphore, #tpu.memory_space<semaphore_mem>>) src(%dma_wait3A_71 : memref<80xi32, #tpu.memory_space<hbm>>) dst(%arg10 : memref<80xi32, #tpu.memory_space<vmem>>)
        "tpu.region"() ({
          %run_scoped3A = tpu.sem_alloc : memref<!tpu.dma_semaphore, #tpu.memory_space<semaphore_mem>>
          %dma_start3A = arith.constant 0 : i32
          %dma_start3A_84 = arith.constant 0 : i32
          %dma_start3A_85 = tpu.memref_slice %arg12[%dma_start3A, %dma_start3A_84] : memref<512x128xf32, #tpu.memory_space<vmem_shared>> -> memref<512x128xf32, #tpu.memory_space<vmem_shared>>
          tpu.enqueue_indirect_dma source(%arg7 : memref<80x128xf32, #tpu.memory_space<vmem>>) target(%dma_start3A_85 : memref<512x128xf32, #tpu.memory_space<vmem_shared>>) offsets(%arg10 : memref<80xi32, #tpu.memory_space<vmem>>) semaphore(%run_scoped3A : memref<!tpu.dma_semaphore, #tpu.memory_space<semaphore_mem>>) {add = true}
          %dma_wait3A_86 = arith.constant 0 : i32
          %dma_wait3A_87 = arith.constant 0 : i32
          %dma_wait3A_88 = tpu.memref_slice %arg12[%dma_wait3A_86, %dma_wait3A_87] : memref<512x128xf32, #tpu.memory_space<vmem_shared>> -> memref<512x128xf32, #tpu.memory_space<vmem_shared>>
          tpu.wait_indirect_dma semaphore(%run_scoped3A : memref<!tpu.dma_semaphore, #tpu.memory_space<semaphore_mem>>) src(%arg7 : memref<80x128xf32, #tpu.memory_space<vmem>>) dst(%dma_wait3A_88 : memref<512x128xf32, #tpu.memory_space<vmem_shared>>)
          tpu.yield
        }) : () -> ()
        %add3A_72 = arith.constant 3 : i32
        %add3A_73 = arith.addi %add3A_46, %add3A_72 : i32
        %lt3A_74 = arith.constant 12 : i32
        %lt3A_75 = arith.cmpi slt, %add3A_73, %lt3A_74 : i32
        %add3A_76 = arith.addi %mul3A_2, %add3A_46 : i32
        %add3A_77 = arith.constant 3 : i32
        %add3A_78 = arith.addi %add3A_76, %add3A_77 : i32
        %lt3A_79 = arith.constant 350 : i32
        %lt3A_80 = arith.cmpi slt, %add3A_78, %lt3A_79 : i32
        %and3A = arith.andi %lt3A_75, %lt3A_80 : i1
        %convert_element_type3A_81 = arith.extui %and3A : i1 to i32
        %cond3A_82 = arith.constant 0 : i32
        %cond3A_83 = arith.cmpi ne, %convert_element_type3A_81, %cond3A_82 : i32
        scf.if %cond3A_83 {
          %add3A_84 = arith.addi %mul3A_2, %add3A_46 : i32
          %add3A_85 = arith.constant 3 : i32
          %add3A_86 = arith.addi %add3A_84, %add3A_85 : i32
          %mul3A_87 = arith.constant 80 : i32
          %mul3A_88 = arith.muli %add3A_86, %mul3A_87 : i32
          %dma_start3A = arith.constant 0 : i32
          %dma_start3A_89 = tpu.memref_slice %arg2[%mul3A_88, %dma_start3A] : memref<100000x128xf32, #tpu.memory_space<hbm>> -> memref<80x128xf32, #tpu.memory_space<hbm>>
          %dma_start3A_90 = arith.constant 0 : i32
          %dma_start3A_91 = tpu.memref_slice %arg2[%mul3A_88, %dma_start3A_90] : memref<100000x128xf32, #tpu.memory_space<hbm>> -> memref<80x128xf32, #tpu.memory_space<hbm>>
          tpu.enqueue_dma source(%dma_start3A_91 : memref<80x128xf32, #tpu.memory_space<hbm>>) target(%arg7 : memref<80x128xf32, #tpu.memory_space<vmem>>) target_semaphore(%arg14 : memref<!tpu.dma_semaphore, #tpu.memory_space<semaphore_mem>>)
          %dma_start3A_92 = tpu.memref_slice %arg3[%mul3A_88] : memref<100000xi32, #tpu.memory_space<hbm>> -> memref<80xi32, #tpu.memory_space<hbm>>
          %dma_start3A_93 = tpu.memref_slice %arg3[%mul3A_88] : memref<100000xi32, #tpu.memory_space<hbm>> -> memref<80xi32, #tpu.memory_space<hbm>>
          tpu.enqueue_dma source(%dma_start3A_93 : memref<80xi32, #tpu.memory_space<hbm>>) target(%arg10 : memref<80xi32, #tpu.memory_space<vmem>>) target_semaphore(%arg17 : memref<!tpu.dma_semaphore, #tpu.memory_space<semaphore_mem>>)
        } else {
        }
      } else {
      }
      %mul3A_53 = arith.constant 3 : i32
      %mul3A_54 = arith.muli %scan3A_32, %mul3A_53 : i32
      %add3A_55 = arith.constant 2 : i32
      %add3A_56 = arith.addi %mul3A_54, %add3A_55 : i32
      %add3A_57 = arith.addi %mul3A_2, %add3A_56 : i32
      %lt3A_58 = arith.constant 350 : i32
      %lt3A_59 = arith.cmpi slt, %add3A_57, %lt3A_58 : i32
      %convert_element_type3A_60 = arith.extui %lt3A_59 : i1 to i32
      %cond3A_61 = arith.constant 0 : i32
      %cond3A_62 = arith.cmpi ne, %convert_element_type3A_60, %cond3A_61 : i32
      scf.if %cond3A_62 {
        %dma_wait3A = arith.constant 0 : i32
        %dma_wait3A_63 = arith.constant 0 : i32
        %dma_wait3A_64 = tpu.memref_slice %arg2[%dma_wait3A, %dma_wait3A_63] : memref<100000x128xf32, #tpu.memory_space<hbm>> -> memref<80x128xf32, #tpu.memory_space<hbm>>
        %dma_wait3A_65 = arith.constant 0 : i32
        %dma_wait3A_66 = arith.constant 0 : i32
        %dma_wait3A_67 = tpu.memref_slice %arg2[%dma_wait3A_65, %dma_wait3A_66] : memref<100000x128xf32, #tpu.memory_space<hbm>> -> memref<80x128xf32, #tpu.memory_space<hbm>>
        tpu.wait_dma2 semaphore(%arg15 : memref<!tpu.dma_semaphore, #tpu.memory_space<semaphore_mem>>) src(%dma_wait3A_67 : memref<80x128xf32, #tpu.memory_space<hbm>>) dst(%arg8 : memref<80x128xf32, #tpu.memory_space<vmem>>)
        %dma_wait3A_68 = arith.constant 0 : i32
        %dma_wait3A_69 = tpu.memref_slice %arg3[%dma_wait3A_68] : memref<100000xi32, #tpu.memory_space<hbm>> -> memref<80xi32, #tpu.memory_space<hbm>>
        %dma_wait3A_70 = arith.constant 0 : i32
        %dma_wait3A_71 = tpu.memref_slice %arg3[%dma_wait3A_70] : memref<100000xi32, #tpu.memory_space<hbm>> -> memref<80xi32, #tpu.memory_space<hbm>>
        tpu.wait_dma2 semaphore(%arg18 : memref<!tpu.dma_semaphore, #tpu.memory_space<semaphore_mem>>) src(%dma_wait3A_71 : memref<80xi32, #tpu.memory_space<hbm>>) dst(%arg11 : memref<80xi32, #tpu.memory_space<vmem>>)
        "tpu.region"() ({
          %run_scoped3A = tpu.sem_alloc : memref<!tpu.dma_semaphore, #tpu.memory_space<semaphore_mem>>
          %dma_start3A = arith.constant 0 : i32
          %dma_start3A_84 = arith.constant 0 : i32
          %dma_start3A_85 = tpu.memref_slice %arg12[%dma_start3A, %dma_start3A_84] : memref<512x128xf32, #tpu.memory_space<vmem_shared>> -> memref<512x128xf32, #tpu.memory_space<vmem_shared>>
          tpu.enqueue_indirect_dma source(%arg8 : memref<80x128xf32, #tpu.memory_space<vmem>>) target(%dma_start3A_85 : memref<512x128xf32, #tpu.memory_space<vmem_shared>>) offsets(%arg11 : memref<80xi32, #tpu.memory_space<vmem>>) semaphore(%run_scoped3A : memref<!tpu.dma_semaphore, #tpu.memory_space<semaphore_mem>>) {add = true}
          %dma_wait3A_86 = arith.constant 0 : i32
          %dma_wait3A_87 = arith.constant 0 : i32
          %dma_wait3A_88 = tpu.memref_slice %arg12[%dma_wait3A_86, %dma_wait3A_87] : memref<512x128xf32, #tpu.memory_space<vmem_shared>> -> memref<512x128xf32, #tpu.memory_space<vmem_shared>>
          tpu.wait_indirect_dma semaphore(%run_scoped3A : memref<!tpu.dma_semaphore, #tpu.memory_space<semaphore_mem>>) src(%arg8 : memref<80x128xf32, #tpu.memory_space<vmem>>) dst(%dma_wait3A_88 : memref<512x128xf32, #tpu.memory_space<vmem_shared>>)
          tpu.yield
        }) : () -> ()
        %add3A_72 = arith.constant 3 : i32
        %add3A_73 = arith.addi %add3A_56, %add3A_72 : i32
        %lt3A_74 = arith.constant 12 : i32
        %lt3A_75 = arith.cmpi slt, %add3A_73, %lt3A_74 : i32
        %add3A_76 = arith.addi %mul3A_2, %add3A_56 : i32
        %add3A_77 = arith.constant 3 : i32
        %add3A_78 = arith.addi %add3A_76, %add3A_77 : i32
        %lt3A_79 = arith.constant 350 : i32
        %lt3A_80 = arith.cmpi slt, %add3A_78, %lt3A_79 : i32
        %and3A = arith.andi %lt3A_75, %lt3A_80 : i1
        %convert_element_type3A_81 = arith.extui %and3A : i1 to i32
        %cond3A_82 = arith.constant 0 : i32
        %cond3A_83 = arith.cmpi ne, %convert_element_type3A_81, %cond3A_82 : i32
        scf.if %cond3A_83 {
          %add3A_84 = arith.addi %mul3A_2, %add3A_56 : i32
          %add3A_85 = arith.constant 3 : i32
          %add3A_86 = arith.addi %add3A_84, %add3A_85 : i32
          %mul3A_87 = arith.constant 80 : i32
          %mul3A_88 = arith.muli %add3A_86, %mul3A_87 : i32
          %dma_start3A = arith.constant 0 : i32
          %dma_start3A_89 = tpu.memref_slice %arg2[%mul3A_88, %dma_start3A] : memref<100000x128xf32, #tpu.memory_space<hbm>> -> memref<80x128xf32, #tpu.memory_space<hbm>>
          %dma_start3A_90 = arith.constant 0 : i32
          %dma_start3A_91 = tpu.memref_slice %arg2[%mul3A_88, %dma_start3A_90] : memref<100000x128xf32, #tpu.memory_space<hbm>> -> memref<80x128xf32, #tpu.memory_space<hbm>>
          tpu.enqueue_dma source(%dma_start3A_91 : memref<80x128xf32, #tpu.memory_space<hbm>>) target(%arg8 : memref<80x128xf32, #tpu.memory_space<vmem>>) target_semaphore(%arg15 : memref<!tpu.dma_semaphore, #tpu.memory_space<semaphore_mem>>)
          %dma_start3A_92 = tpu.memref_slice %arg3[%mul3A_88] : memref<100000xi32, #tpu.memory_space<hbm>> -> memref<80xi32, #tpu.memory_space<hbm>>
          %dma_start3A_93 = tpu.memref_slice %arg3[%mul3A_88] : memref<100000xi32, #tpu.memory_space<hbm>> -> memref<80xi32, #tpu.memory_space<hbm>>
          tpu.enqueue_dma source(%dma_start3A_93 : memref<80xi32, #tpu.memory_space<hbm>>) target(%arg11 : memref<80xi32, #tpu.memory_space<vmem>>) target_semaphore(%arg18 : memref<!tpu.dma_semaphore, #tpu.memory_space<semaphore_mem>>)
        } else {
        }
      } else {
      }
    }
    %scan3A_27 = arith.constant 4 : i32
    %barrier3A_28 = arith.constant 0 : index
    tpu.barrier barrier_id(%barrier3A_28)
    %mul3A_29 = arith.constant 512 : i32
    %mul3A_30 = arith.muli %arg0, %mul3A_29 : i32
    %add3A_31 = arith.addi %mul3A_30, %mul3A_4 : i32
    "tpu.region"() ({
      %run_scoped3A = tpu.sem_alloc : memref<!tpu.dma_semaphore, #tpu.memory_space<semaphore_mem>>
      %dma_start3A = arith.constant 0 : i32
      %dma_start3A_32 = tpu.memref_slice %arg5[%add3A_31, %dma_start3A] : memref<1024x128xf32, #tpu.memory_space<hbm>> -> memref<32x128xf32, #tpu.memory_space<hbm>>
      %dma_start3A_33 = arith.constant 0 : i32
      %dma_start3A_34 = tpu.memref_slice %arg12[%mul3A_4, %dma_start3A_33] : memref<512x128xf32, #tpu.memory_space<vmem_shared>> -> memref<32x128xf32, #tpu.memory_space<vmem_shared>>
      tpu.enqueue_dma source(%dma_start3A_34 : memref<32x128xf32, #tpu.memory_space<vmem_shared>>) target(%dma_start3A_32 : memref<32x128xf32, #tpu.memory_space<hbm>>) target_semaphore(%run_scoped3A : memref<!tpu.dma_semaphore, #tpu.memory_space<semaphore_mem>>)
      %dma_wait3A = arith.constant 0 : i32
      %dma_wait3A_35 = tpu.memref_slice %arg5[%add3A_31, %dma_wait3A] : memref<1024x128xf32, #tpu.memory_space<hbm>> -> memref<32x128xf32, #tpu.memory_space<hbm>>
      %dma_wait3A_36 = arith.constant 0 : i32
      %dma_wait3A_37 = tpu.memref_slice %arg12[%mul3A_4, %dma_wait3A_36] : memref<512x128xf32, #tpu.memory_space<vmem_shared>> -> memref<32x128xf32, #tpu.memory_space<vmem_shared>>
      tpu.wait_dma2 semaphore(%run_scoped3A : memref<!tpu.dma_semaphore, #tpu.memory_space<semaphore_mem>>) src(%dma_wait3A_37 : memref<32x128xf32, #tpu.memory_space<vmem_shared>>) dst(%dma_wait3A_35 : memref<32x128xf32, #tpu.memory_space<hbm>>)
      tpu.yield
    }) : () -> ()
    return
  }
}

module attributes {stable_mosaic.version = 14 : i64} {
  func.func @_tc_segsum_body(%arg0: i32, %arg1: memref<1x1x4000xi32, #tpu.memory_space<vmem>>, %arg2: memref<4000x128xf32, #tpu.memory_space<vmem>>, %arg3: memref<1x1x4000xi32, #tpu.memory_space<vmem>>, %arg4: memref<4000x128xf32, #tpu.memory_space<vmem>>, %arg5: memref<512x128xf32, #tpu.memory_space<vmem>>) attributes {dimension_semantics = [#tpu.dimension_semantics<arbitrary>], iteration_bounds = array<i64: 9>, scalar_prefetch = 0 : i64, scratch_operands = 0 : i64, tpu.core_type = #tpu.core_type<tc>, window_params = [{transform_indices = @transform_0, window_bounds = array<i64: 1, 1, 4000>}, {transform_indices = @transform_1, window_bounds = array<i64: 4000, 128>}, {transform_indices = @transform_2, window_bounds = array<i64: 1, 1, 4000>}, {transform_indices = @transform_3, window_bounds = array<i64: 4000, 128>}, {pipeline_mode = #tpu.pipeline_mode<synchronous>, transform_indices = @transform_4, window_bounds = array<i64: 512, 128>}]} {
    %eq3A = arith.constant 0 : i32
    %eq3A_0 = arith.cmpi eq, %arg0, %eq3A : i32
    %convert_element_type3A = arith.extui %eq3A_0 : i1 to i32
    %cond3A = arith.constant 0 : i32
    %cond3A_1 = arith.cmpi ne, %convert_element_type3A, %cond3A : i32
    scf.if %cond3A_1 {
      %broadcast_in_dim3A = arith.constant 0.000000e+00 : f32
      %broadcast_in_dim3A_101 = vector.broadcast %broadcast_in_dim3A : f32 to vector<512x128xf32>
      %swap3A = arith.constant 0 : index
      %swap3A_102 = arith.constant 0 : index
      %swap3A_103 = vector.load %arg5[%swap3A, %swap3A_102] : memref<512x128xf32, #tpu.memory_space<vmem>>, vector<512x128xf32>
      tpu.vector_store %arg5[%swap3A, %swap3A_102], %broadcast_in_dim3A_101 {strides = array<i32>} : memref<512x128xf32, #tpu.memory_space<vmem>>, vector<512x128xf32>,
    } else {
    }
    %get3A = arith.constant 0 : index
    %get3A_2 = arith.constant 0 : index
    %get3A_3 = arith.constant 0 : index
    %get3A_4 = vector.load %arg1[%get3A, %get3A_2, %get3A_3] : memref<1x1x4000xi32, #tpu.memory_space<vmem>>, vector<1x1x4000xi32>
    %get3A_5 = vector.shape_cast %get3A_4 : vector<1x1x4000xi32> to vector<4000xi32>
    %get3A_6 = arith.constant 0 : index
    %get3A_7 = arith.constant 0 : index
    %get3A_8 = vector.load %arg2[%get3A_6, %get3A_7] : memref<4000x128xf32, #tpu.memory_space<vmem>>, vector<4000x128xf32>
    %reduce_min3A = vector.shape_cast %get3A_5 : vector<4000xi32> to vector<1x4000xi32>
    %reduce_min3A_9 = arith.constant dense<2147483647> : vector<1xi32>
    %reduce_min3A_10 = vector.multi_reduction <minsi>, %reduce_min3A, %reduce_min3A_9 [1] : vector<1x4000xi32> to vector<1xi32>
    %reduce_min3A_11 = vector.shape_cast %reduce_min3A_10 : vector<1xi32> to vector<1x1xi32>
    %reduce_min3A_12 = vector.extract %reduce_min3A_11[0, 0] : i32 from vector<1x1xi32>
    %jit3A = arith.constant 8 : i32
    %div3A = arith.divsi %reduce_min3A_12, %jit3A : i32
    %sign3A = arith.constant 0 : i32
    %sign3A_13 = arith.cmpi sgt, %reduce_min3A_12, %sign3A : i32
    %sign3A_14 = arith.extui %sign3A_13 : i1 to i32
    %sign3A_15 = arith.constant 0 : i32
    %sign3A_16 = arith.cmpi slt, %reduce_min3A_12, %sign3A_15 : i32
    %sign3A_17 = arith.extui %sign3A_16 : i1 to i32
    %sign3A_18 = arith.subi %sign3A_14, %sign3A_17 : i32
    %sign3A_19 = arith.constant 0 : i32
    %sign3A_20 = arith.cmpi sgt, %jit3A, %sign3A_19 : i32
    %sign3A_21 = arith.extui %sign3A_20 : i1 to i32
    %sign3A_22 = arith.constant 0 : i32
    %sign3A_23 = arith.cmpi slt, %jit3A, %sign3A_22 : i32
    %sign3A_24 = arith.extui %sign3A_23 : i1 to i32
    %sign3A_25 = arith.subi %sign3A_21, %sign3A_24 : i32
    %ne3A = arith.cmpi ne, %sign3A_18, %sign3A_25 : i32
    %rem3A = arith.remsi %reduce_min3A_12, %jit3A : i32
    %ne3A_26 = arith.constant 0 : i32
    %ne3A_27 = arith.cmpi ne, %rem3A, %ne3A_26 : i32
    %and3A = arith.andi %ne3A, %ne3A_27 : i1
    %sub3A = arith.constant 1 : i32
    %sub3A_28 = arith.subi %div3A, %sub3A : i32
    %select_n3A = arith.select %and3A, %sub3A_28, %div3A : i32
    %mul3A = arith.constant 8 : i32
    %mul3A_29 = arith.muli %select_n3A, %mul3A : i32
    %min3A = arith.constant 448 : i32
    %min3A_30 = arith.minsi %mul3A_29, %min3A : i32
    %reduce_max3A = vector.shape_cast %get3A_5 : vector<4000xi32> to vector<1x4000xi32>
    %reduce_max3A_31 = arith.constant dense<-2147483648> : vector<1xi32>
    %reduce_max3A_32 = vector.multi_reduction <maxsi>, %reduce_max3A, %reduce_max3A_31 [1] : vector<1x4000xi32> to vector<1xi32>
    %reduce_max3A_33 = vector.shape_cast %reduce_max3A_32 : vector<1xi32> to vector<1x1xi32>
    %reduce_max3A_34 = vector.extract %reduce_max3A_33[0, 0] : i32 from vector<1x1xi32>
    %sub3A_35 = arith.subi %reduce_max3A_34, %min3A_30 : i32
    %lt3A = arith.constant 64 : i32
    %lt3A_36 = arith.cmpi slt, %sub3A_35, %lt3A : i32
    %convert_element_type3A_37 = arith.extui %lt3A_36 : i1 to i32
    %cond3A_38 = arith.constant 0 : i32
    %cond3A_39 = arith.cmpi ne, %convert_element_type3A_37, %cond3A_38 : i32
    scf.if %cond3A_39 {
      %iota3A = tpu.iota {dimensions = array<i32: 0>} : vector<64x4000xi32>
      %sub3A_101 = vector.broadcast %min3A_30 : i32 to vector<4000xi32>
      %sub3A_102 = arith.subi %get3A_5, %sub3A_101 : vector<4000xi32>
      %broadcast_in_dim3A = vector.shape_cast %sub3A_102 : vector<4000xi32> to vector<1x4000xi32>
      %eq3A_103 = vector.broadcast %broadcast_in_dim3A : vector<1x4000xi32> to vector<64x4000xi32>
      %eq3A_104 = arith.cmpi eq, %eq3A_103, %iota3A : vector<64x4000xi32>
      %convert_element_type3A_105 = arith.extui %eq3A_104 : vector<64x4000xi1> to vector<64x4000xi32>
      %convert_element_type3A_106 = arith.sitofp %convert_element_type3A_105 : vector<64x4000xi32> to vector<64x4000xf32>
      %get3A_107 = arith.index_cast %min3A_30 : i32 to index
      %get3A_108 = arith.constant 0 : index
      %get3A_109 = vector.load %arg5[%get3A_107, %get3A_108] : memref<512x128xf32, #tpu.memory_space<vmem>>, vector<64x128xf32>
      %dot_general3A = arith.constant dense<0.000000e+00> : vector<64x128xf32>
      %dot_general3A_110 = tpu.matmul %convert_element_type3A_106, %get3A_8, %dot_general3A {dimension_numbers = #tpu.dot_dimension_numbers<[1], [0], [0], [1], [0, 0, 1, 1], [], []>, transpose_lhs_hint = false} : vector<64x4000xf32>, vector<4000x128xf32>, vector<64x128xf32> -> vector<64x128xf32>
      %add3A = arith.addf %get3A_109, %dot_general3A_110 : vector<64x128xf32>
      %swap3A = arith.index_cast %min3A_30 : i32 to index
      %swap3A_111 = arith.constant 0 : index
      %swap3A_112 = vector.load %arg5[%swap3A, %swap3A_111] : memref<512x128xf32, #tpu.memory_space<vmem>>, vector<64x128xf32>
      tpu.vector_store %arg5[%swap3A, %swap3A_111], %add3A {strides = array<i32>} : memref<512x128xf32, #tpu.memory_space<vmem>>, vector<64x128xf32>,
    } else {
    }
    %not3A = arith.constant true
    %not3A_40 = arith.xori %lt3A_36, %not3A : i1
    %convert_element_type3A_41 = arith.extui %not3A_40 : i1 to i32
    %cond3A_42 = arith.constant 0 : i32
    %cond3A_43 = arith.cmpi ne, %convert_element_type3A_41, %cond3A_42 : i32
    scf.if %cond3A_43 {
      %iota3A = tpu.iota {dimensions = array<i32: 0>} : vector<512x4000xi32>
      %broadcast_in_dim3A = vector.shape_cast %get3A_5 : vector<4000xi32> to vector<1x4000xi32>
      %eq3A_101 = vector.broadcast %broadcast_in_dim3A : vector<1x4000xi32> to vector<512x4000xi32>
      %eq3A_102 = arith.cmpi eq, %eq3A_101, %iota3A : vector<512x4000xi32>
      %convert_element_type3A_103 = arith.extui %eq3A_102 : vector<512x4000xi1> to vector<512x4000xi32>
      %convert_element_type3A_104 = arith.sitofp %convert_element_type3A_103 : vector<512x4000xi32> to vector<512x4000xf32>
      %get3A_105 = arith.constant 0 : index
      %get3A_106 = arith.constant 0 : index
      %get3A_107 = vector.load %arg5[%get3A_105, %get3A_106] : memref<512x128xf32, #tpu.memory_space<vmem>>, vector<512x128xf32>
      %dot_general3A = arith.constant dense<0.000000e+00> : vector<512x128xf32>
      %dot_general3A_108 = tpu.matmul %convert_element_type3A_104, %get3A_8, %dot_general3A {dimension_numbers = #tpu.dot_dimension_numbers<[1], [0], [0], [1], [0, 0, 1, 1], [], []>, transpose_lhs_hint = false} : vector<512x4000xf32>, vector<4000x128xf32>, vector<512x128xf32> -> vector<512x128xf32>
      %add3A = arith.addf %get3A_107, %dot_general3A_108 : vector<512x128xf32>
      %swap3A = arith.constant 0 : index
      %swap3A_109 = arith.constant 0 : index
      %swap3A_110 = vector.load %arg5[%swap3A, %swap3A_109] : memref<512x128xf32, #tpu.memory_space<vmem>>, vector<512x128xf32>
      tpu.vector_store %arg5[%swap3A, %swap3A_109], %add3A {strides = array<i32>} : memref<512x128xf32, #tpu.memory_space<vmem>>, vector<512x128xf32>,
    } else {
    }
    %get3A_44 = arith.constant 0 : index
    %get3A_45 = arith.constant 0 : index
    %get3A_46 = arith.constant 0 : index
    %get3A_47 = vector.load %arg3[%get3A_44, %get3A_45, %get3A_46] : memref<1x1x4000xi32, #tpu.memory_space<vmem>>, vector<1x1x4000xi32>
    %get3A_48 = vector.shape_cast %get3A_47 : vector<1x1x4000xi32> to vector<4000xi32>
    %get3A_49 = arith.constant 0 : index
    %get3A_50 = arith.constant 0 : index
    %get3A_51 = vector.load %arg4[%get3A_49, %get3A_50] : memref<4000x128xf32, #tpu.memory_space<vmem>>, vector<4000x128xf32>
    %reduce_min3A_52 = vector.shape_cast %get3A_48 : vector<4000xi32> to vector<1x4000xi32>
    %reduce_min3A_53 = arith.constant dense<2147483647> : vector<1xi32>
    %reduce_min3A_54 = vector.multi_reduction <minsi>, %reduce_min3A_52, %reduce_min3A_53 [1] : vector<1x4000xi32> to vector<1xi32>
    %reduce_min3A_55 = vector.shape_cast %reduce_min3A_54 : vector<1xi32> to vector<1x1xi32>
    %reduce_min3A_56 = vector.extract %reduce_min3A_55[0, 0] : i32 from vector<1x1xi32>
    %jit3A_57 = arith.constant 8 : i32
    %div3A_58 = arith.divsi %reduce_min3A_56, %jit3A_57 : i32
    %sign3A_59 = arith.constant 0 : i32
    %sign3A_60 = arith.cmpi sgt, %reduce_min3A_56, %sign3A_59 : i32
    %sign3A_61 = arith.extui %sign3A_60 : i1 to i32
    %sign3A_62 = arith.constant 0 : i32
    %sign3A_63 = arith.cmpi slt, %reduce_min3A_56, %sign3A_62 : i32
    %sign3A_64 = arith.extui %sign3A_63 : i1 to i32
    %sign3A_65 = arith.subi %sign3A_61, %sign3A_64 : i32
    %sign3A_66 = arith.constant 0 : i32
    %sign3A_67 = arith.cmpi sgt, %jit3A_57, %sign3A_66 : i32
    %sign3A_68 = arith.extui %sign3A_67 : i1 to i32
    %sign3A_69 = arith.constant 0 : i32
    %sign3A_70 = arith.cmpi slt, %jit3A_57, %sign3A_69 : i32
    %sign3A_71 = arith.extui %sign3A_70 : i1 to i32
    %sign3A_72 = arith.subi %sign3A_68, %sign3A_71 : i32
    %ne3A_73 = arith.cmpi ne, %sign3A_65, %sign3A_72 : i32
    %rem3A_74 = arith.remsi %reduce_min3A_56, %jit3A_57 : i32
    %ne3A_75 = arith.constant 0 : i32
    %ne3A_76 = arith.cmpi ne, %rem3A_74, %ne3A_75 : i32
    %and3A_77 = arith.andi %ne3A_73, %ne3A_76 : i1
    %sub3A_78 = arith.constant 1 : i32
    %sub3A_79 = arith.subi %div3A_58, %sub3A_78 : i32
    %select_n3A_80 = arith.select %and3A_77, %sub3A_79, %div3A_58 : i32
    %mul3A_81 = arith.constant 8 : i32
    %mul3A_82 = arith.muli %select_n3A_80, %mul3A_81 : i32
    %min3A_83 = arith.constant 448 : i32
    %min3A_84 = arith.minsi %mul3A_82, %min3A_83 : i32
    %reduce_max3A_85 = vector.shape_cast %get3A_48 : vector<4000xi32> to vector<1x4000xi32>
    %reduce_max3A_86 = arith.constant dense<-2147483648> : vector<1xi32>
    %reduce_max3A_87 = vector.multi_reduction <maxsi>, %reduce_max3A_85, %reduce_max3A_86 [1] : vector<1x4000xi32> to vector<1xi32>
    %reduce_max3A_88 = vector.shape_cast %reduce_max3A_87 : vector<1xi32> to vector<1x1xi32>
    %reduce_max3A_89 = vector.extract %reduce_max3A_88[0, 0] : i32 from vector<1x1xi32>
    %sub3A_90 = arith.subi %reduce_max3A_89, %min3A_84 : i32
    %lt3A_91 = arith.constant 64 : i32
    %lt3A_92 = arith.cmpi slt, %sub3A_90, %lt3A_91 : i32
    %convert_element_type3A_93 = arith.extui %lt3A_92 : i1 to i32
    %cond3A_94 = arith.constant 0 : i32
    %cond3A_95 = arith.cmpi ne, %convert_element_type3A_93, %cond3A_94 : i32
    scf.if %cond3A_95 {
      %iota3A = tpu.iota {dimensions = array<i32: 0>} : vector<64x4000xi32>
      %sub3A_101 = vector.broadcast %min3A_84 : i32 to vector<4000xi32>
      %sub3A_102 = arith.subi %get3A_48, %sub3A_101 : vector<4000xi32>
      %broadcast_in_dim3A = vector.shape_cast %sub3A_102 : vector<4000xi32> to vector<1x4000xi32>
      %eq3A_103 = vector.broadcast %broadcast_in_dim3A : vector<1x4000xi32> to vector<64x4000xi32>
      %eq3A_104 = arith.cmpi eq, %eq3A_103, %iota3A : vector<64x4000xi32>
      %convert_element_type3A_105 = arith.extui %eq3A_104 : vector<64x4000xi1> to vector<64x4000xi32>
      %convert_element_type3A_106 = arith.sitofp %convert_element_type3A_105 : vector<64x4000xi32> to vector<64x4000xf32>
      %get3A_107 = arith.index_cast %min3A_84 : i32 to index
      %get3A_108 = arith.constant 0 : index
      %get3A_109 = vector.load %arg5[%get3A_107, %get3A_108] : memref<512x128xf32, #tpu.memory_space<vmem>>, vector<64x128xf32>
      %dot_general3A = arith.constant dense<0.000000e+00> : vector<64x128xf32>
      %dot_general3A_110 = tpu.matmul %convert_element_type3A_106, %get3A_51, %dot_general3A {dimension_numbers = #tpu.dot_dimension_numbers<[1], [0], [0], [1], [0, 0, 1, 1], [], []>, transpose_lhs_hint = false} : vector<64x4000xf32>, vector<4000x128xf32>, vector<64x128xf32> -> vector<64x128xf32>
      %add3A = arith.addf %get3A_109, %dot_general3A_110 : vector<64x128xf32>
      %swap3A = arith.index_cast %min3A_84 : i32 to index
      %swap3A_111 = arith.constant 0 : index
      %swap3A_112 = vector.load %arg5[%swap3A, %swap3A_111] : memref<512x128xf32, #tpu.memory_space<vmem>>, vector<64x128xf32>
      tpu.vector_store %arg5[%swap3A, %swap3A_111], %add3A {strides = array<i32>} : memref<512x128xf32, #tpu.memory_space<vmem>>, vector<64x128xf32>,
    } else {
    }
    %not3A_96 = arith.constant true
    %not3A_97 = arith.xori %lt3A_92, %not3A_96 : i1
    %convert_element_type3A_98 = arith.extui %not3A_97 : i1 to i32
    %cond3A_99 = arith.constant 0 : i32
    %cond3A_100 = arith.cmpi ne, %convert_element_type3A_98, %cond3A_99 : i32
    scf.if %cond3A_100 {
      %iota3A = tpu.iota {dimensions = array<i32: 0>} : vector<512x4000xi32>
      %broadcast_in_dim3A = vector.shape_cast %get3A_48 : vector<4000xi32> to vector<1x4000xi32>
      %eq3A_101 = vector.broadcast %broadcast_in_dim3A : vector<1x4000xi32> to vector<512x4000xi32>
      %eq3A_102 = arith.cmpi eq, %eq3A_101, %iota3A : vector<512x4000xi32>
      %convert_element_type3A_103 = arith.extui %eq3A_102 : vector<512x4000xi1> to vector<512x4000xi32>
      %convert_element_type3A_104 = arith.sitofp %convert_element_type3A_103 : vector<512x4000xi32> to vector<512x4000xf32>
      %get3A_105 = arith.constant 0 : index
      %get3A_106 = arith.constant 0 : index
      %get3A_107 = vector.load %arg5[%get3A_105, %get3A_106] : memref<512x128xf32, #tpu.memory_space<vmem>>, vector<512x128xf32>
      %dot_general3A = arith.constant dense<0.000000e+00> : vector<512x128xf32>
      %dot_general3A_108 = tpu.matmul %convert_element_type3A_104, %get3A_51, %dot_general3A {dimension_numbers = #tpu.dot_dimension_numbers<[1], [0], [0], [1], [0, 0, 1, 1], [], []>, transpose_lhs_hint = false} : vector<512x4000xf32>, vector<4000x128xf32>, vector<512x128xf32> -> vector<512x128xf32>
      %add3A = arith.addf %get3A_107, %dot_general3A_108 : vector<512x128xf32>
      %swap3A = arith.constant 0 : index
      %swap3A_109 = arith.constant 0 : index
      %swap3A_110 = vector.load %arg5[%swap3A, %swap3A_109] : memref<512x128xf32, #tpu.memory_space<vmem>>, vector<512x128xf32>
      tpu.vector_store %arg5[%swap3A, %swap3A_109], %add3A {strides = array<i32>} : memref<512x128xf32, #tpu.memory_space<vmem>>, vector<512x128xf32>,
    } else {
    }
    return
  }
  func.func @transform_0(%arg0: i32) -> (i32, i32, i32) {
    %add3A = arith.constant 7 : i32
    %add3A_0 = arith.addi %arg0, %add3A : i32
    %c0_i32 = arith.constant 0 : i32
    %c0_i32_1 = arith.constant 0 : i32
    %c0_i32_2 = arith.constant 0 : i32
    return %add3A_0, %c0_i32, %c0_i32_1 : i32, i32, i32
  }
  func.func @transform_1(%arg0: i32) -> (i32, i32) {
    %add3A = arith.constant 7 : i32
    %add3A_0 = arith.addi %arg0, %add3A : i32
    %c0_i32 = arith.constant 0 : i32
    %c0_i32_1 = arith.constant 0 : i32
    return %add3A_0, %c0_i32 : i32, i32
  }
  func.func @transform_2(%arg0: i32) -> (i32, i32, i32) {
    %add3A = arith.constant 16 : i32
    %add3A_0 = arith.addi %arg0, %add3A : i32
    %c0_i32 = arith.constant 0 : i32
    %c0_i32_1 = arith.constant 0 : i32
    %c0_i32_2 = arith.constant 0 : i32
    return %add3A_0, %c0_i32, %c0_i32_1 : i32, i32, i32
  }
  func.func @transform_3(%arg0: i32) -> (i32, i32) {
    %add3A = arith.constant 16 : i32
    %add3A_0 = arith.addi %arg0, %add3A : i32
    %c0_i32 = arith.constant 0 : i32
    %c0_i32_1 = arith.constant 0 : i32
    return %add3A_0, %c0_i32 : i32, i32
  }
  func.func @transform_4(%arg0: i32) -> (i32, i32) {
    %c0_i32 = arith.constant 0 : i32
    %c0_i32_0 = arith.constant 0 : i32
    %c0_i32_1 = arith.constant 0 : i32
    return %c0_i32, %c0_i32_0 : i32, i32
  }
}

module attributes {stable_mosaic.version = 14 : i64} {
  func.func @_mlp_body(%arg0: memref<1024x128xf32, #tpu.memory_space<vmem>>, %arg1: memref<512x128xf32, #tpu.memory_space<vmem>>, %arg2: memref<512x128xf32, #tpu.memory_space<vmem>>, %arg3: memref<256x128xf32, #tpu.memory_space<vmem>>, %arg4: memref<1x256xf32, #tpu.memory_space<vmem>>, %arg5: memref<1x256xf32, #tpu.memory_space<vmem>>, %arg6: memref<1x256xf32, #tpu.memory_space<vmem>>, %arg7: memref<128x256xf32, #tpu.memory_space<vmem>>, %arg8: memref<1x128xf32, #tpu.memory_space<vmem>>, %arg9: memref<1x128xf32, #tpu.memory_space<vmem>>, %arg10: memref<1x128xf32, #tpu.memory_space<vmem>>, %arg11: memref<512x128xf32, #tpu.memory_space<vmem>>) attributes {dimension_semantics = [], scalar_prefetch = 0 : i64, scratch_operands = 0 : i64, tpu.core_type = #tpu.core_type<tc>} {
    %get3A = arith.constant 0 : index
    %get3A_0 = arith.constant 0 : index
    %get3A_1 = vector.load %arg2[%get3A, %get3A_0] : memref<512x128xf32, #tpu.memory_space<vmem>>, vector<512x128xf32>
    %get3A_2 = arith.constant 0 : index
    %get3A_3 = arith.constant 0 : index
    %get3A_4 = vector.load %arg1[%get3A_2, %get3A_3] : memref<512x128xf32, #tpu.memory_space<vmem>>, vector<512x128xf32>
    %add3A = arith.addf %get3A_1, %get3A_4 : vector<512x128xf32>
    %get3A_5 = arith.constant 0 : index
    %get3A_6 = arith.constant 0 : index
    %get3A_7 = vector.load %arg0[%get3A_5, %get3A_6] : memref<1024x128xf32, #tpu.memory_space<vmem>>, vector<512x128xf32>
    %add3A_8 = arith.addf %add3A, %get3A_7 : vector<512x128xf32>
    %get3A_9 = arith.constant 512 : index
    %get3A_10 = arith.constant 0 : index
    %get3A_11 = vector.load %arg0[%get3A_9, %get3A_10] : memref<1024x128xf32, #tpu.memory_space<vmem>>, vector<512x128xf32>
    %add3A_12 = arith.addf %add3A_8, %get3A_11 : vector<512x128xf32>
    %get3A_13 = arith.constant 0 : index
    %get3A_14 = arith.constant 0 : index
    %get3A_15 = vector.load %arg3[%get3A_13, %get3A_14] : memref<256x128xf32, #tpu.memory_space<vmem>>, vector<256x128xf32>
    %dot_general3A = arith.constant dense<0.000000e+00> : vector<512x256xf32>
    %dot_general3A_16 = tpu.matmul %add3A_12, %get3A_15, %dot_general3A {dimension_numbers = #tpu.dot_dimension_numbers<[1], [1], [0], [0], [0, 0, 1, 0], [], []>, transpose_lhs_hint = false} : vector<512x128xf32>, vector<256x128xf32>, vector<512x256xf32> -> vector<512x256xf32>
    %get3A_17 = arith.constant 0 : index
    %get3A_18 = arith.constant 0 : index
    %get3A_19 = vector.load %arg4[%get3A_17, %get3A_18] : memref<1x256xf32, #tpu.memory_space<vmem>>, vector<1x256xf32>
    %add3A_20 = vector.broadcast %get3A_19 : vector<1x256xf32> to vector<512x256xf32>
    %add3A_21 = arith.addf %dot_general3A_16, %add3A_20 : vector<512x256xf32>
    %reduce_sum3A = arith.constant dense<0.000000e+00> : vector<256xf32>
    %reduce_sum3A_22 = vector.multi_reduction <add>, %add3A_21, %reduce_sum3A [0] : vector<512x256xf32> to vector<256xf32>
    %broadcast_in_dim3A = vector.shape_cast %reduce_sum3A_22 : vector<256xf32> to vector<1x256xf32>
    %div3A = arith.constant 5.120000e+02 : f32
    %div3A_23 = vector.broadcast %div3A : f32 to vector<1x256xf32>
    %div3A_24 = arith.divf %broadcast_in_dim3A, %div3A_23 : vector<1x256xf32>
    %sub3A = vector.broadcast %div3A_24 : vector<1x256xf32> to vector<512x256xf32>
    %sub3A_25 = arith.subf %add3A_21, %sub3A : vector<512x256xf32>
    %integer_pow3A = arith.mulf %sub3A_25, %sub3A_25 : vector<512x256xf32>
    %reduce_sum3A_26 = arith.constant dense<0.000000e+00> : vector<256xf32>
    %reduce_sum3A_27 = vector.multi_reduction <add>, %integer_pow3A, %reduce_sum3A_26 [0] : vector<512x256xf32> to vector<256xf32>
    %broadcast_in_dim3A_28 = vector.shape_cast %reduce_sum3A_27 : vector<256xf32> to vector<1x256xf32>
    %div3A_29 = arith.constant 5.120000e+02 : f32
    %div3A_30 = vector.broadcast %div3A_29 : f32 to vector<1x256xf32>
    %div3A_31 = arith.divf %broadcast_in_dim3A_28, %div3A_30 : vector<1x256xf32>
    %get3A_32 = arith.constant 0 : index
    %get3A_33 = arith.constant 0 : index
    %get3A_34 = vector.load %arg5[%get3A_32, %get3A_33] : memref<1x256xf32, #tpu.memory_space<vmem>>, vector<1x256xf32>
    %sub3A_35 = vector.broadcast %div3A_24 : vector<1x256xf32> to vector<512x256xf32>
    %sub3A_36 = arith.subf %add3A_21, %sub3A_35 : vector<512x256xf32>
    %mul3A = vector.broadcast %get3A_34 : vector<1x256xf32> to vector<512x256xf32>
    %mul3A_37 = arith.mulf %mul3A, %sub3A_36 : vector<512x256xf32>
    %add3A_38 = arith.constant 9.99999974E-6 : f32
    %add3A_39 = vector.broadcast %add3A_38 : f32 to vector<1x256xf32>
    %add3A_40 = arith.addf %div3A_31, %add3A_39 : vector<1x256xf32>
    %rsqrt3A = math.rsqrt %add3A_40 : vector<1x256xf32>
    %mul3A_41 = vector.broadcast %rsqrt3A : vector<1x256xf32> to vector<512x256xf32>
    %mul3A_42 = arith.mulf %mul3A_37, %mul3A_41 : vector<512x256xf32>
    %get3A_43 = arith.constant 0 : index
    %get3A_44 = arith.constant 0 : index
    %get3A_45 = vector.load %arg6[%get3A_43, %get3A_44] : memref<1x256xf32, #tpu.memory_space<vmem>>, vector<1x256xf32>
    %add3A_46 = vector.broadcast %get3A_45 : vector<1x256xf32> to vector<512x256xf32>
    %add3A_47 = arith.addf %mul3A_42, %add3A_46 : vector<512x256xf32>
    %max3A = arith.constant 0.000000e+00 : f32
    %max3A_48 = vector.broadcast %max3A : f32 to vector<512x256xf32>
    %max3A_49 = arith.maximumf %add3A_47, %max3A_48 : vector<512x256xf32>
    %get3A_50 = arith.constant 0 : index
    %get3A_51 = arith.constant 0 : index
    %get3A_52 = vector.load %arg7[%get3A_50, %get3A_51] : memref<128x256xf32, #tpu.memory_space<vmem>>, vector<128x256xf32>
    %dot_general3A_53 = arith.constant dense<0.000000e+00> : vector<512x128xf32>
    %dot_general3A_54 = tpu.matmul %max3A_49, %get3A_52, %dot_general3A_53 {dimension_numbers = #tpu.dot_dimension_numbers<[1], [1], [0], [0], [0, 0, 1, 0], [], []>, transpose_lhs_hint = false} : vector<512x256xf32>, vector<128x256xf32>, vector<512x128xf32> -> vector<512x128xf32>
    %get3A_55 = arith.constant 0 : index
    %get3A_56 = arith.constant 0 : index
    %get3A_57 = vector.load %arg8[%get3A_55, %get3A_56] : memref<1x128xf32, #tpu.memory_space<vmem>>, vector<1x128xf32>
    %add3A_58 = vector.broadcast %get3A_57 : vector<1x128xf32> to vector<512x128xf32>
    %add3A_59 = arith.addf %dot_general3A_54, %add3A_58 : vector<512x128xf32>
    %reduce_sum3A_60 = arith.constant dense<0.000000e+00> : vector<128xf32>
    %reduce_sum3A_61 = vector.multi_reduction <add>, %add3A_59, %reduce_sum3A_60 [0] : vector<512x128xf32> to vector<128xf32>
    %broadcast_in_dim3A_62 = vector.shape_cast %reduce_sum3A_61 : vector<128xf32> to vector<1x128xf32>
    %div3A_63 = arith.constant 5.120000e+02 : f32
    %div3A_64 = vector.broadcast %div3A_63 : f32 to vector<1x128xf32>
    %div3A_65 = arith.divf %broadcast_in_dim3A_62, %div3A_64 : vector<1x128xf32>
    %sub3A_66 = vector.broadcast %div3A_65 : vector<1x128xf32> to vector<512x128xf32>
    %sub3A_67 = arith.subf %add3A_59, %sub3A_66 : vector<512x128xf32>
    %integer_pow3A_68 = arith.mulf %sub3A_67, %sub3A_67 : vector<512x128xf32>
    %reduce_sum3A_69 = arith.constant dense<0.000000e+00> : vector<128xf32>
    %reduce_sum3A_70 = vector.multi_reduction <add>, %integer_pow3A_68, %reduce_sum3A_69 [0] : vector<512x128xf32> to vector<128xf32>
    %broadcast_in_dim3A_71 = vector.shape_cast %reduce_sum3A_70 : vector<128xf32> to vector<1x128xf32>
    %div3A_72 = arith.constant 5.120000e+02 : f32
    %div3A_73 = vector.broadcast %div3A_72 : f32 to vector<1x128xf32>
    %div3A_74 = arith.divf %broadcast_in_dim3A_71, %div3A_73 : vector<1x128xf32>
    %get3A_75 = arith.constant 0 : index
    %get3A_76 = arith.constant 0 : index
    %get3A_77 = vector.load %arg9[%get3A_75, %get3A_76] : memref<1x128xf32, #tpu.memory_space<vmem>>, vector<1x128xf32>
    %sub3A_78 = vector.broadcast %div3A_65 : vector<1x128xf32> to vector<512x128xf32>
    %sub3A_79 = arith.subf %add3A_59, %sub3A_78 : vector<512x128xf32>
    %mul3A_80 = vector.broadcast %get3A_77 : vector<1x128xf32> to vector<512x128xf32>
    %mul3A_81 = arith.mulf %mul3A_80, %sub3A_79 : vector<512x128xf32>
    %add3A_82 = arith.constant 9.99999974E-6 : f32
    %add3A_83 = vector.broadcast %add3A_82 : f32 to vector<1x128xf32>
    %add3A_84 = arith.addf %div3A_74, %add3A_83 : vector<1x128xf32>
    %rsqrt3A_85 = math.rsqrt %add3A_84 : vector<1x128xf32>
    %mul3A_86 = vector.broadcast %rsqrt3A_85 : vector<1x128xf32> to vector<512x128xf32>
    %mul3A_87 = arith.mulf %mul3A_81, %mul3A_86 : vector<512x128xf32>
    %get3A_88 = arith.constant 0 : index
    %get3A_89 = arith.constant 0 : index
    %get3A_90 = vector.load %arg10[%get3A_88, %get3A_89] : memref<1x128xf32, #tpu.memory_space<vmem>>, vector<1x128xf32>
    %add3A_91 = vector.broadcast %get3A_90 : vector<1x128xf32> to vector<512x128xf32>
    %add3A_92 = arith.addf %mul3A_87, %add3A_91 : vector<512x128xf32>
    %max3A_93 = arith.constant 0.000000e+00 : f32
    %max3A_94 = vector.broadcast %max3A_93 : f32 to vector<512x128xf32>
    %max3A_95 = arith.maximumf %add3A_92, %max3A_94 : vector<512x128xf32>
    %swap3A = arith.constant 0 : index
    %swap3A_96 = arith.constant 0 : index
    %swap3A_97 = vector.load %arg11[%swap3A, %swap3A_96] : memref<512x128xf32, #tpu.memory_space<vmem>>, vector<512x128xf32>
    tpu.vector_store %arg11[%swap3A, %swap3A_96], %max3A_95 {strides = array<i32>} : memref<512x128xf32, #tpu.memory_space<vmem>>, vector<512x128xf32>,
    return
  }
}

</mosaic_0001>

<sc_bundles>
// kernel: kernel.5.cloned.1.call-start
scs
__scs_entry_jumppad:
0x0: {  	(pc) =	sbr.rel $0x88, $3  }
0x1: {  	(tag) =	ssettag $0x0;
	lr =	simm.s32 $0x1  }
0x2: {  	[smem:$0x3F96] =	sst lr;
	_ =	strace $0xD0000000  }
0x3: {  	_ = 	snop  }
0x4: {  	_ = 	snop  }
0x5: {  	_ = 	snop  }
0x6: {  	_ = 	snop  }
0x7: {  	_ = 	snop  }
__scs_overlays_trampoline_lowered:
0x8: {  	[smem:$0x3FA5] =	sst s0  }
0x9: {  	[smem:$0x3FA6] =	sst s1  }
0xa: {  	[smem:$0x3FA7] =	sst s2  }
0xb: {  	[smem:$0x3FA8] =	sst s3  }
0xc: {  	[smem:$0x3FA9] =	sst s4  }
0xd: {  	[smem:$0x3FAA] =	sst s5  }
0xe: {  	[smem:$0x3FAB] =	sst s6  }
0xf: {  	[smem:$0x3FAC] =	sst s7  }
0x10: {  	[smem:$0x3FAD] =	sst s8  }
0x11: {  	[smem:$0x3FAE] =	sst s9;
	s0 =	simm.s32 @!p0 $0x0  }
0x12: {  	s1 =	sld [smem:$0x3F94];
	s0 =	simm.s32 @p0 $0x1  }
0x13: {  	[smem:$0x3FAF] =	sst s0;
	s0 =	simm.s32 @!p1 $0x0  }
0x14: {  	s2 =	sld [smem:$0x3F93];
	s0 =	simm.s32 @p1 $0x1  }
0x15: {  	[smem:$0x3FB0] =	sst s0;
	s0 =	simm.s32 @!p2 $0x0  }
0x16: {  	s3 =	sld [smem:$0x3FDB];
	s0 =	simm.s32 @p2 $0x1  }
0x17: {  	s4 =	simm.s32 $0x1BF5;
	[smem:$0x3FB2] =	sst s0  }
0x18: {  	s0 =	sld [smem:$0x3F95];
	_ =	swait.ge [sflag:s4], $0x0  }
0x19: {  	s7 =	sld [smem:$0x3F96]  }
0x1a: {  	s8 =	sadd.s32 $0xFFFFE003, lr  }
0x1b: {  	s9 =	sadd.s32 $0xFFFFFEF7, lr;
	s5 =	simm.s32 $0xFFFFFFFF;
	p2 =	slt.u32 s8, $0xFFFFF086  }
0x1c: {  	p1 =	slt.u32 s9, $0xF7A;
	s5 =	simm.s32 @!p2 $0x0  }
0x1d: {  	s5 =	simm.s32 @p1 $0x1;
	p0 =	seq.s32 s7, s2  }
0x1e: {  	s7 =	smul.u32 @!p0 $0xF7A, s2;
	p2 =	seq.s32 @!p0 s5, $0x0  }
0x1f: {  	s9 =	smul.u32 $0xF7A, s1;
	s8 =	simm.s32 @!p0 $0x1BF5;
	p2 =	por !p2, p0  }
0x20: {  	[sflag:s8] =	ssyncset.s32 @!p0 $0xFFFFF086;
	s6 =	sadd.s32 @!p0 s3, s7;
	s7 =	simm.s32 @!p0 $0x108  }
0x21: {  	s3 =	sadd.s32 s3, s9;
	s6 =	sadd.s32 @!p0 $0x88, s6;
	s7 =	simm.s32 @p2 $0x1082  }
0x22: {  	[simem:s7], [sflag:s8] =	dma.local @!p0 [hbm:s6], $0xF7A  }
0x23: {  	s9 =	sor.u32 $0xD0000000, s2;
	s6 =	simm.s32 $0x108;
	_ =	swait.ge @!p0 [sflag:s8], $0x0  }
0x24: {  	s3 =	sadd.s32 $0x88, s3;
	s6 =	simm.s32 @!p1 $0x1082;
	[sflag:s4] =	ssyncset.s32 $0xFFFFF086  }
0x25: {  	[simem:s6], [sflag:s4] =	dma.local [hbm:s3], $0xF7A  }
0x26: {  	[smem:$0x3F96] =	sst s1;
	(tag) =	ssettag s2;
	_ =	strace s9  }
0x27: {  	s1 =	sld [smem:$0x3FA6]  }
0x28: {  	s2 =	sld [smem:$0x3FA7]  }
0x29: {  	s4 =	sld [smem:$0x3FA9]  }
0x2a: {  	p0 =	seq.s32 s5, $0x0;
	s5 =	sld [smem:$0x3FAA]  }
0x2b: {  	s6 =	sld [smem:$0x3FAB]  }
0x2c: {  	s7 =	sld [smem:$0x3FAC]  }
0x2d: {  	s3 =	simm.s32 $0x108;
	s8 =	sld [smem:$0x3FAD]  }
0x2e: {  	s3 =	simm.s32 @!p0 $0x1082;
	s9 =	sld [smem:$0x3FAE]  }
0x2f: {  	lr =	sadd.s32 s0, s3;
	s0 =	sld [smem:$0x3FA5]  }
0x30: {  	s3 =	sld [smem:$0x3FA8]  }
0x31: {  	[smem:$0x3FB1] =	sst s10  }
0x32: {  	s10 =	sld [smem:$0x3FAF];
	_ =	sdelay $0x3  }
0x33: {  	p0 =	seq.s32 s10, $0x1;
	s10 =	sld [smem:$0x3FB1];
	_ =	sdelay $0x3  }
0x34: {  	[smem:$0x3FB1] =	sst s10  }
0x35: {  	s10 =	sld [smem:$0x3FB0];
	_ =	sdelay $0x3  }
0x36: {  	p1 =	seq.s32 s10, $0x1;
	s10 =	sld [smem:$0x3FB1];
	_ =	sdelay $0x3  }
0x37: {  	[smem:$0x3FB1] =	sst s10  }
0x38: {  	s10 =	sld [smem:$0x3FB2]  }
0x39: {  	_ = 	snop;
	(pc) =	sbr.ind lr, $3  }
0x3a: {  	_ = 	snop  }
0x3b: {  	_ = 	snop  }
0x3c: {  	p2 =	seq.s32 s10, $0x1;
	s10 =	sld [smem:$0x3FB1]  }
0x3d: {  	_ =	shalt  }
0x3e: {  	_ =	shalt  }
0x3f: {  	_ =	shalt  }
0x40: {  	_ =	shalt  }
0x41: {  	_ =	shalt  }
0x42: {  	_ =	shalt  }
0x43: {  	_ =	shalt  }
0x44: {  	_ =	shalt  }
0x45: {  	_ =	shalt  }
0x46: {  	_ =	shalt  }
0x47: {  	_ =	shalt  }
0x48: {  	_ =	shalt  }
0x49: {  	_ =	shalt  }
0x4a: {  	_ =	shalt  }
0x4b: {  	_ =	shalt  }
0x4c: {  	_ =	shalt  }
0x4d: {  	_ =	shalt  }
0x4e: {  	_ =	shalt  }
0x4f: {  	_ =	shalt  }
0x50: {  	_ =	shalt  }
0x51: {  	_ =	shalt  }
0x52: {  	_ =	shalt  }
0x53: {  	_ =	shalt  }
0x54: {  	_ =	shalt  }
0x55: {  	_ =	shalt  }
0x56: {  	_ =	shalt  }
0x57: {  	_ =	shalt  }
0x58: {  	_ =	shalt  }
0x59: {  	_ =	shalt  }
0x5a: {  	_ =	shalt  }
0x5b: {  	_ =	shalt  }
0x5c: {  	_ =	shalt  }
0x5d: {  	_ =	shalt  }
0x5e: {  	_ =	shalt  }
0x5f: {  	_ =	shalt  }
0x60: {  	_ =	shalt  }
0x61: {  	_ =	shalt  }
0x62: {  	_ =	shalt  }
0x63: {  	_ =	shalt  }
0x64: {  	_ =	shalt  }
0x65: {  	_ =	shalt  }
0x66: {  	_ =	shalt  }
0x67: {  	_ =	shalt  }
0x68: {  	_ =	shalt  }
0x69: {  	_ =	shalt  }
0x6a: {  	_ =	shalt  }
0x6b: {  	_ =	shalt  }
0x6c: {  	_ =	shalt  }
0x6d: {  	_ =	shalt  }
0x6e: {  	_ =	shalt  }
0x6f: {  	_ =	shalt  }
0x70: {  	_ =	shalt  }
0x71: {  	_ =	shalt  }
0x72: {  	_ =	shalt  }
0x73: {  	_ =	shalt  }
0x74: {  	_ =	shalt  }
0x75: {  	_ =	shalt  }
0x76: {  	_ =	shalt  }
0x77: {  	_ =	shalt  }
0x78: {  	_ =	shalt  }
0x79: {  	_ =	shalt  }
0x7a: {  	_ =	shalt  }
0x7b: {  	_ =	shalt  }
0x7c: {  	_ =	shalt  }
0x7d: {  	_ =	shalt  }
0x7e: {  	_ =	shalt  }
0x7f: {  	_ =	shalt  }
0x80: {  	_ =	shalt  }
0x81: {  	_ =	shalt  }
0x82: {  	_ =	shalt  }
0x83: {  	_ =	shalt  }
0x84: {  	_ =	shalt  }
0x85: {  	_ =	shalt  }
0x86: {  	_ =	shalt  }
0x87: {  	_ =	shalt  }
.Lfunc_end0:
.L_simem_size_0:
called_computation_lowered:
.L_overlay_start_0:
0x88: {  	s2 =	sld [smem:$0x3FD9]  }
0x89: {  	s3 =	sld [smem:$0x3FFE];
	_ =	sdelay $0x1  }
0x8a: {  	s1 =	srdreg.scid  }
0x8b: {  	s0 =	sand.u32 $0x1, s1  }
0x8c: {  	s17 =	sshll.u32 s0, $0xA;
	s2 =	sadd.s32 s3, s2  }
0x8d: {  	s2 =	sadd.s32 s2, s17  }
0x8e: {  	[smem:$0x3FBD] =	sst s2  }
0x8f: {  	_ = 	snop  }
0x90: {  	s2 =	sld [smem:$0x3FC8]  }
0x91: {  	s18 =	sld [smem:$0x3FC7]  }
0x92: {  	s4 =	sld [smem:$0x3FD0];
	(tm) =	ssettm $0x1  }
0x93: {  	s5 =	sld [smem:$0x3FFB];
	_ =	sdelay $0x3  }
0x94: {  	_ =	strace s5  }
0x95: {  	s5 =	sld [smem:$0x3FFC];
	_ =	sdelay $0x3  }
0x96: {  	_ =	strace s5  }
0x97: {  	s5 =	sld [smem:$0x3FFD];
	_ =	sdelay $0x3  }
0x98: {  	_ =	strace s5  }
0x99: {  	_ =	strace $0x8FFFFFFF  }
0x9a: {  	s19 =	sld [smem:$0x3FDB];
	_ =	sdelay $0x1  }
0x9b: {  	s6 =	simm.s32 $_scs_section_size  }
0x9c: {  	s7 =	simm.s32 $_size__tile_overlayer_lowered;
	s8 =	simm.s32 $_tile_overlayer_lowered  }
0x9d: {  	s22 =	simm.s32 $0x1BFF;
	s21 =	sshll.u32 s8, $0x1;
	s5 =	sadd.s32 s6, s19  }
0x9e: {  	s9 =	simm.s32 $0x0;
	s20 =	sshll.u32 s7, $0x1;
	s7 =	sadd.s32 s21, s5  }
0x9f: {  	[timem:s9], [sflag:s22] =	dma.local [hbm:s7], s20  }
0xa0: {  	_ =	swait.ge [sflag:s22], s20  }
0xa1: {  	s6 =	ssub.s32 $0x0, s20;
	[sflag:s22] =	ssyncset.done $0x0  }
0xa2: {  	[sflag:s22] =	ssyncadd.s32 s6;
	_ =	sdelay $0x1  }
0xa3: {  	s23 =	simm.s32 $0x1B8B  }
0xa4: {  	_ =	swait.ge [sflag:s23], $0x1  }
0xa5: {  	[sflag:s23] =	ssyncset.done $0x0  }
0xa6: {  	s25 =	simm.s32 $0x1B8E;
	s24 =	sld [smem:$0x3FFE];
	[sflag:s23] =	ssyncadd.s32 $0xFFFFFFFF  }
0xa7: {  	s26 =	simm.s32 $execute0_lowered;
	[smem:$0x3FD2] =	sst s25  }
0xa8: {  	s7 =	sshll.u32 s26, $0x1;
	_ =	strace $0x80000046;
	[dreg:$0x1] =	wrdreg $0xFFFFFFFF  }
0xa9: {  	s28 =	simm.s32 $_size_execute0_lowered;
	s5 =	sadd.s32 s5, s7;
	[dreg:$0x0] =	wrdreg $0x0  }
0xaa: {  	s7 =	sshll.u32 s28, $0x1;
	[dreg:$0x2] =	wrdreg s5  }
0xab: {  	[dreg:$0x3] =	wrdreg s7  }
0xac: {  	[dreg:$0x4] =	wrdreg $0xC0  }
0xad: {  	_ =	task [dreg:s9], $0x5FFFF  }
0xae: {  	[dreg:$0x1] =	wrdreg $0xFFFFFFFF  }
0xaf: {  	[dreg:$0x0] =	wrdreg $0x60  }
0xb0: {  	[dreg:$0x2] =	wrdreg s2  }
0xb1: {  	[dreg:$0x3] =	wrdreg s18  }
0xb2: {  	[dreg:$0x4] =	wrdreg s4  }
0xb3: {  	[dreg:$0x5] =	wrdreg s24  }
0xb4: {  	[dreg:$0x6] =	wrdreg $0x79800  }
0xb5: {  	[dreg:$0x7] =	wrdreg $0x9  }
0xb6: {  	_ =	task.clear_ibuf [dreg:s9], $0x8FFFF;
	_ =	strace $0x90000046  }
0xb7: {  	s29 =	simm.s32 $0x9;
	_ =	strace $0x80000048  }
0xb8: {  	_ =	swait.ge [sflag:s29], $0x1  }
0xb9: {  	[sflag:s29] =	ssyncadd.s32 $0xFFFFFFFF  }
0xba: {  	_ =	strace $0x90000048  }
0xbb: {  	_ =	sfence  }
0xbc: {  	s30 =	sld [smem:$0x0];
	_ =	sdelay $0x2  }
0xbd: {  	s31 =	sshll.u32 s1, $0xD;
	s1 =	sshrl.u32 s1, $0x2  }
0xbe: {  	s3 =	sand.u32 $0x4000, s31;
	s1 =	sadd.s32 s1, s30  }
0xbf: {  	s0 =	sor.u32 s3, s0;
	s1 =	sshll.u32 s1, $0x11  }
0xc0: {  	s0 =	sor.u32 s1, s0  }
0xc1: {  	s0 =	sadd.s32 $0x8F2B, s0  }
0xc2: {  	[sflag:s0] =	ssyncadd.remote.s32 $0x1  }
0xc3: {  	_ =	sfence.sel $0xFFFF  }
0xc4: {  	[dreg:$0x0] =	wrdreg $0xFFFFFFFF;
	(pc) =	sbr.abs _section_cstart, $3  }
0xc5: {  	[dreg:$0x1] =	wrdreg $0xFFFFFFFF  }
0xc6: {  	_ =	task.clear_ibuf [dreg:s9], $0x2FFFF;
	_ =	strace $0x9FFFFFFF  }
0xc7: {  	(tm) =	ssettm $0x7FFFFFFF  }
tec
execute0_lowered:
.L_overlay_start_1:
0x0: {  	(tag) =	ssettag $0x1  }
0x1: {  	s12 =	rddreg [dreg:$0x0]  }
0x2: {  	s9 =	rddreg [dreg:$0x1]  }
0x3: {  	s4 =	rddreg [dreg:$0x2]  }
0x4: {  	s0 =	stileid.u32;
	s5 =	rddreg [dreg:$0x3]  }
0x5: {  	s1 =	srdreg.scid;
	s2 =	rddreg [dreg:$0x4];
	s3 =	simm.s32 $0x0  }
0x6: {  	s13 =	sand.u32 $0x1, s1;
	s19 =	sshll.u32 s0, $0x1;
	s25 =	smul.u32 $0x7800, s0  }
0x7: {  	[smem:$0x7FF] =	sst s3;
	s10 =	sshll.u32 s0, $0x9;
	s28 =	smul.u32 $0x18, s0  }
0x8: {  	s17 =	sshll.u32 s0, $0xC;
	s29 =	sshll.u32 s0, $0x6;
	s23 =	smul.u32 $0x78, s13  }
0x9: {  	p0 =	seq.s32 s0, $0xF;
	s6 =	sor.u32 s13, s19;
	s26 =	smul.u32 $0x3C00, s13  }
0xa: {  	s14 =	sadd.s32 s10, s5;
	s20 =	ssub.s32 $0x2, s13;
	s30 =	smul.u32 $0xC, s13  }
0xb: {  	s4 =	sadd.s32 s4, s10;
	s22 =	sshll.u32 s13, $0xD;
	s7 =	smul.u32 $0xC, s6  }
0xc: {  	_ =	strace $0x80000047;
	s17 =	sadd.s32 s17, s2;
	s8 =	smul.u32 $0x3C00, s6  }
0xd: {  	s6 =	smul.u32 $0x78, s6;
	s16 =	sshrl.u32 s20, $0x1;
	s14 =	sadd.s32 s22, s14  }
0xe: {  	s17 =	sshrl.u32 s17, $0x3;
	s16 =	ssub.s32 s20, s16;
	s20 =	smul.u32 $0xF0, s0  }
0xf: {  	s13 =	sadd.s32 $0x1A00, s14;
	s31 =	sadd.s32 s30, s28;
	s11 =	sor.u32 $0x1, s7  }
0x10: {  	s0 =	simm.s32 @!p0 $0x0;
	s19 =	sor.u32 $0x2, s7;
	s15 =	smul.u32 $0x500, s11  }
0x11: {  	s5 =	sadd.s32 s12, s8;
	s6 =	sadd.s32 s9, s6;
	s11 =	smul.u32 $0xA, s11  }
0x12: {  	s14 =	smax.u32 s16, $0x1;
	s16 =	sor.u32 $0x2, s31;
	s18 =	smul.u32 $0x500, s19  }
0x13: {  	s0 =	simm.s32 @p0 $0x1;
	s21 =	smul.u32 $0xA, s19;
	s24 =	sadd.s32 s20, s9  }
0x14: {  	[smem:$0x7FC] =	sst s0;
	p0 =	sgt.u32 s19, $0x15D;
	s10 =	sadd.s32 s23, s24  }
0x15: {  	s0 =	simm.s32 @!p0 $0x0;
	s7 =	sadd.s32 s9, s11;
	s8 =	sadd.s32 s9, s21  }
0x16: {  	s9 =	sadd.s32 s12, s15;
	s11 =	sadd.s32 s12, s18;
	s12 =	sadd.s32 s25, s12  }
0x17: {  	s18 =	simm.s32 $0x7;
	s0 =	simm.s32 @p0 $0x1;
	s15 =	sadd.s32 s26, s12  }
0x18: {  	s12 =	sor.u32 $0x1C07, s29;
	[smem:$0x7FD] =	sst s0;
	s15 =	sadd.s32 $0x1900, s15  }
.LBB2_1:
0x19: {  	[spmem:s17], [sflag:s12] =	dma.local [hbm:s4], $0x200  }
0x1a: {  	_ =	swait.ge [sflag:s18], $0x200  }
0x1b: {  	[sflag:s18] =	ssyncset.done $0x0  }
0x1c: {  	[sflag:s18] =	ssyncadd.s32 $0xFFFFFE00  }
0x1d: {  	[bflag:$0x0] =	sbarrier.arrive $0xFFFF  }
0x1e: {  	s0 =	sld [smem:$0x7FC];
	_ =	sdelay $0x2  }
0x1f: {  	p0 =	seq.s32 s0, $0x1  }
0x20: {  	s19 =	simm.s32 @!p0 $0x0  }
0x21: {  	[tilespmem:s19], [sflag:$0x1] =	stream.linear.gather @!p0 [hbm4b:s5+s19], $0x2800, $0x38;
	[tilespmem:$0x8980] =	vst v63  }
0x22: {  	s20 =	simm.s32 @!p0 $0x7800  }
0x23: {  	[tilespmem:s20], [sflag:$0x4] =	stream.linear.gather @!p0 [hbm4b:s6+s19], $0x50, $0x38;
	[tilespmem:$0x8980] =	vst v63  }
0x24: {  	s31 =	sld [smem:$0x7FD];
	s20 =	simm.s32 @!p0 $0x2800  }
0x25: {  	[tilespmem:s20], [sflag:$0x2] =	stream.linear.gather @!p0 [hbm4b:s9+s19], $0x2800, $0x38;
	[tilespmem:$0x8980] =	vst v63  }
0x26: {  	s20 =	simm.s32 @!p0 $0x7880  }
0x27: {  	[tilespmem:s20], [sflag:$0x5] =	stream.linear.gather @!p0 [hbm4b:s7+s19], $0x50, $0x38;
	[tilespmem:$0x8980] =	vst v63  }
0x28: {  	p0 =	seq.s32 s31, $0x1  }
0x29: {  	s19 =	simm.s32 @!p0 $0x0;
	s20 =	simm.s32 @!p0 $0x5000  }
0x2a: {  	[tilespmem:s20], [sflag:$0x3] =	stream.linear.gather @!p0 [hbm4b:s11+s19], $0x2800, $0x38;
	[tilespmem:$0x8980] =	vst v63  }
0x2b: {  	s20 =	simm.s32 @!p0 $0x7900  }
0x2c: {  	[tilespmem:s20], [sflag:$0x6] =	stream.linear.gather @!p0 [hbm4b:s8+s19], $0x50, $0x38;
	[tilespmem:$0x8980] =	vst v63  }
0x2d: {  	s20 =	sadd.s32 $0xFFFFFFFE, s16  }
0x2e: {  	p2 =	sgt.u32 s20, $0x15D  }
0x2f: {  	s21 =	simm.s32 @!p2 $0x1  }
0x30: {  	s19 =	simm.s32 $0x1E;
	_ =	swait.ge @!p2 [sflag:s21], $0x2800  }
0x31: {  	p1 =	por @!p2 $0x0, $0x0;
	s22 =	simm.s32 @!p2 $0x7800;
	[sflag:s21] =	ssyncset.done @!p2 $0x0  }
0x32: {  	p3 =	por p1, p2;
	[sflag:s21] =	ssyncadd.s32 @!p2 $0xFFFFD800;
	s21 =	simm.s32 @!p2 $0x4  }
0x33: {  	s23 =	simm.s32 @!p2 $0x7;
	p3 =	sgt.u32 @!p3 s20, $0x15A;
	_ =	swait.ge @!p2 [sflag:s21], $0x50  }
0x34: {  	s20 =	simm.s32 @!p2 $0x50;
	p1 =	por @!p2 p3, p1;
	[sflag:s21] =	ssyncset.done @!p2 $0x0  }
0x35: {  	p1 =	por p1, p2;
	[sflag:s21] =	ssyncadd.s32 @!p2 $0xFFFFFFB0;
	s21 =	simm.s32 @!p2 $0x0  }
0x36: {  	[spmem:s2] =	stream.indirect.scatter.add.f32 @!p2 [tilespmem:s21], [sflag:$0x7], $0x80, s22, s20, $0xb8;
	[tilespmem:$0x8980] =	vst v63  }
0x37: {  	s20 =	sadd.s32 $0xFFFFFFFF, s16;
	s21 =	sadd.s32 @!p1 $0x0, s10;
	_ =	swait.ge @!p2 [sflag:s23], $0x2800  }
0x38: {  	s22 =	sadd.s32 @!p1 $0xFFFFF600, s15;
	p3 =	sgt.u32 s20, $0x15D;
	[sflag:s23] =	ssyncset.done @!p2 $0x0  }
0x39: {  	s21 =	sadd.s32 @!p1 $0x1E, s21;
	[sflag:s23] =	ssyncadd.s32 @!p2 $0xFFFFD800;
	s23 =	simm.s32 @!p1 $0x0  }
0x3a: {  	[tilespmem:s23], [sflag:$0x1] =	stream.linear.gather @!p1 [hbm4b:s22+s23], $0x2800, $0x38;
	[tilespmem:$0x8980] =	vst v63  }
0x3b: {  	s24 =	simm.s32 @!p3 $0x2;
	s25 =	simm.s32 @!p3 $0x7880;
	s22 =	simm.s32 @!p1 $0x7800  }
0x3c: {  	[tilespmem:s22], [sflag:$0x4] =	stream.linear.gather @!p1 [hbm4b:s21+s23], $0x50, $0x38;
	[tilespmem:$0x8980] =	vst v63  }
0x3d: {  	s26 =	simm.s32 @!p3 $0x50;
	s22 =	simm.s32 $0x3C;
	_ =	swait.ge @!p3 [sflag:s24], $0x2800  }
0x3e: {  	p1 =	por @!p3 $0x0, $0x0;
	s21 =	simm.s32 @!p3 $0x5;
	[sflag:s24] =	ssyncset.done @!p3 $0x0  }
0x3f: {  	s23 =	simm.s32 @!p3 $0x2800;
	p2 =	por p1, p3;
	[sflag:s24] =	ssyncadd.s32 @!p3 $0xFFFFD800  }
0x40: {  	p2 =	sgt.u32 @!p2 s20, $0x15A;
	s20 =	sadd.s32 $0x3, s16;
	_ =	swait.ge @!p3 [sflag:s21], $0x50  }
0x41: {  	p4 =	por @!p3 p2, p1;
	p2 =	sgt.u32 s16, $0x15D;
	[sflag:s21] =	ssyncset.done @!p3 $0x0  }
0x42: {  	s24 =	simm.s32 @!p3 $0x7;
	p1 =	por @!p2 $0x0, $0x0;
	[sflag:s21] =	ssyncadd.s32 @!p3 $0xFFFFFFB0  }
0x43: {  	[spmem:s2] =	stream.indirect.scatter.add.f32 @!p3 [tilespmem:s23], [sflag:$0x7], $0x80, s25, s26, $0xb8;
	[tilespmem:$0x8980] =	vst v63  }
0x44: {  	p4 =	por p4, p3;
	s28 =	simm.s32 @!p2 $0x3;
	_ =	swait.ge @!p3 [sflag:s24], $0x2800  }
0x45: {  	s21 =	sadd.s32 @!p4 $0xFFFFFB00, s15;
	s23 =	simm.s32 @!p4 $0x0;
	[sflag:s24] =	ssyncset.done @!p3 $0x0  }
0x46: {  	s25 =	simm.s32 @!p4 $0x2800;
	[sflag:s24] =	ssyncadd.s32 @!p3 $0xFFFFD800;
	p3 =	por p1, p2  }
0x47: {  	[tilespmem:s25], [sflag:$0x2] =	stream.linear.gather @!p4 [hbm4b:s21+s23], $0x2800, $0x38;
	[tilespmem:$0x8980] =	vst v63  }
0x48: {  	s26 =	sadd.s32 @!p4 $0x0, s10;
	s24 =	simm.s32 @!p4 $0x7880;
	p3 =	sgt.u32 @!p3 s16, $0x15A  }
0x49: {  	s21 =	sadd.s32 @!p4 $0x28, s26;
	s26 =	sadd.s32 $0xFFFFFFFE, s20;
	p5 =	por @!p2 p3, p1  }
0x4a: {  	[tilespmem:s24], [sflag:$0x5] =	stream.linear.gather @!p4 [hbm4b:s21+s23], $0x50, $0x38;
	[tilespmem:$0x8980] =	vst v63  }
0x4b: {  	s21 =	sadd.s32 $0xF00, s15;
	s24 =	simm.s32 $0x0;
	s23 =	smov.u32 s15  }
.LBB2_2:
0x4c: {  	_ =	swait.ge @!p2 [sflag:s28], $0x2800;
	s29 =	simm.s32 @!p2 $0x50  }
0x4d: {  	s30 =	simm.s32 @!p2 $0x5000;
	s31 =	smov.u32 s22;
	s25 =	smov.u32 s20  }
0x4e: {  	s1 =	simm.s32 @!p2 $0x6;
	s0 =	simm.s32 @!p2 $0x7900;
	[sflag:s28] =	ssyncset.done @!p2 $0x0  }
0x4f: {  	p4 =	sgt.u32 s26, $0x15D;
	p5 =	por p5, p2;
	[sflag:s28] =	ssyncadd.s32 @!p2 $0xFFFFD800  }
0x50: {  	p6 =	seq.s32 @!p4 s19, $0x5A;
	s24 =	sadd.s32 @!p5 s24, s10;
	_ =	swait.ge @!p2 [sflag:s1], $0x50  }
0x51: {  	p1 =	por p6, p4;
	s28 =	simm.s32 @!p2 $0x7;
	[sflag:s1] =	ssyncset.done @!p2 $0x0  }
0x52: {  	s24 =	sadd.s32 @!p5 $0x32, s24;
	[sflag:s1] =	ssyncadd.s32 @!p2 $0xFFFFFFB0;
	s1 =	simm.s32 @!p5 $0x0  }
0x53: {  	[spmem:s2] =	stream.indirect.scatter.add.f32 @!p2 [tilespmem:s30], [sflag:$0x7], $0x80, s0, s29, $0xb8;
	[tilespmem:$0x8980] =	vst v63  }
0x54: {  	s0 =	simm.s32 @!p5 $0x5000;
	s29 =	simm.s32 @!p5 $0x7900;
	_ =	swait.ge @!p2 [sflag:s28], $0x2800  }
0x55: {  	s22 =	sadd.s32 $0x1E, s22;
	p1 =	sgt.u32 @!p1 s26, $0x15A;
	[sflag:s28] =	ssyncset.done @!p2 $0x0  }
0x56: {  	s26 =	simm.s32 @!p4 $0x50;
	s30 =	simm.s32 @!p4 $0x7800;
	[sflag:s28] =	ssyncadd.s32 @!p2 $0xFFFFD800  }
0x57: {  	[tilespmem:s0], [sflag:$0x3] =	stream.linear.gather @!p5 [hbm4b:s23+s1], $0x2800, $0x38;
	[tilespmem:$0x8980] =	vst v63  }
0x58: {  	p3 =	sne.s32 s22, $0x78;
	p1 =	por @!p4 p1, p6;
	s0 =	simm.s32 @!p4 $0x1  }
0x59: {  	[tilespmem:s29], [sflag:$0x6] =	stream.linear.gather @!p5 [hbm4b:s24+s1], $0x50, $0x38;
	[tilespmem:$0x8980] =	vst v63  }
0x5a: {  	s24 =	smov.u32 s19;
	s19 =	smov.u32 s31;
	_ =	swait.ge @!p4 [sflag:s0], $0x2800  }
0x5b: {  	s23 =	smov.u32 s21;
	[sflag:s0] =	ssyncset.done @!p4 $0x0  }
0x5c: {  	[sflag:s0] =	ssyncadd.s32 @!p4 $0xFFFFD800;
	s0 =	simm.s32 @!p4 $0x4  }
0x5d: {  	p2 =	por p1, p4;
	_ =	swait.ge @!p4 [sflag:s0], $0x50  }
0x5e: {  	s28 =	sadd.s32 $0xFFFFFFFF, s20;
	s1 =	sadd.s32 @!p2 s24, s10;
	[sflag:s0] =	ssyncset.done @!p4 $0x0  }
0x5f: {  	s29 =	simm.s32 @!p4 $0x7;
	[sflag:s0] =	ssyncadd.s32 @!p4 $0xFFFFFFB0;
	s0 =	simm.s32 @!p4 $0x0  }
0x60: {  	[spmem:s2] =	stream.indirect.scatter.add.f32 @!p4 [tilespmem:s0], [sflag:$0x7], $0x80, s30, s26, $0xb8;
	[tilespmem:$0x8980] =	vst v63  }
0x61: {  	p5 =	sgt.u32 s28, $0x15D;
	s0 =	sadd.s32 @!p2 $0x1E, s1;
	_ =	swait.ge @!p4 [sflag:s29], $0x2800  }
0x62: {  	p6 =	seq.s32 @!p5 s24, $0x5A;
	s1 =	simm.s32 @!p5 $0x2;
	[sflag:s29] =	ssyncset.done @!p4 $0x0  }
0x63: {  	s20 =	sadd.s32 $0x3, s20;
	[sflag:s29] =	ssyncadd.s32 @!p4 $0xFFFFD800  }
0x64: {  	p1 =	por p6, p5;
	s26 =	sadd.s32 @!p2 $0xFFFFF600, s21;
	s29 =	simm.s32 @!p2 $0x0  }
0x65: {  	[tilespmem:s29], [sflag:$0x1] =	stream.linear.gather @!p2 [hbm4b:s26+s29], $0x2800, $0x38;
	[tilespmem:$0x8980] =	vst v63  }
0x66: {  	s31 =	simm.s32 @!p5 $0x2800;
	s30 =	simm.s32 @!p5 $0x5;
	s26 =	simm.s32 @!p2 $0x7800  }
0x67: {  	[tilespmem:s26], [sflag:$0x4] =	stream.linear.gather @!p2 [hbm4b:s0+s29], $0x50, $0x38;
	[tilespmem:$0x8980] =	vst v63  }
0x68: {  	p1 =	sgt.u32 @!p1 s28, $0x15A;
	s0 =	simm.s32 @!p5 $0x7;
	_ =	swait.ge @!p5 [sflag:s1], $0x2800  }
0x69: {  	p1 =	por @!p5 p1, p6;
	s21 =	sadd.s32 $0xF00, s21;
	[sflag:s1] =	ssyncset.done @!p5 $0x0  }
0x6a: {  	p6 =	por p1, p5;
	p2 =	sgt.u32 s25, $0x15D;
	[sflag:s1] =	ssyncadd.s32 @!p5 $0xFFFFD800  }
0x6b: {  	p4 =	seq.s32 @!p2 s24, $0x5A;
	s1 =	simm.s32 @!p5 $0x7880;
	_ =	swait.ge @!p5 [sflag:s30], $0x50  }
0x6c: {  	s26 =	simm.s32 @!p5 $0x50;
	p0 =	por p4, p2;
	[sflag:s30] =	ssyncset.done @!p5 $0x0  }
0x6d: {  	s28 =	sadd.s32 @!p6 s24, s10;
	p1 =	sgt.u32 @!p0 s25, $0x15A;
	[sflag:s30] =	ssyncadd.s32 @!p5 $0xFFFFFFB0  }
0x6e: {  	[spmem:s2] =	stream.indirect.scatter.add.f32 @!p5 [tilespmem:s31], [sflag:$0x7], $0x80, s1, s26, $0xb8;
	[tilespmem:$0x8980] =	vst v63  }
0x6f: {  	s25 =	simm.s32 @!p6 $0x0;
	s1 =	sadd.s32 @!p6 $0xFFFFFB00, s23;
	_ =	swait.ge @!p5 [sflag:s0], $0x2800  }
.Ltmp0:
0x70: {  	s26 =	simm.s32 @!p6 $0x2800;
	[sflag:s0] =	ssyncset.done @!p5 $0x0;
	(pc) =	sbr.rel @p3 .LBB2_2-.Ltmp0, $4  }
0x71: {  	s29 =	simm.s32 @!p6 $0x7880;
	[sflag:s0] =	ssyncadd.s32 @!p5 $0xFFFFD800;
	s0 =	sadd.s32 @!p6 $0x28, s28  }
0x72: {  	[tilespmem:s26], [sflag:$0x2] =	stream.linear.gather @!p6 [hbm4b:s1+s25], $0x2800, $0x38;
	[tilespmem:$0x8980] =	vst v63  }
0x73: {  	s28 =	simm.s32 @!p2 $0x3;
	p5 =	por @!p2 p1, p4;
	s26 =	sadd.s32 $0xFFFFFFFE, s20  }
0x74: {  	[tilespmem:s29], [sflag:$0x5] =	stream.linear.gather @!p6 [hbm4b:s0+s25], $0x50, $0x38;
	[tilespmem:$0x8980] =	vst v63  }
0x75: {  	_ =	swait.ge @!p2 [sflag:s28], $0x2800  }
0x76: {  	[sflag:s28] =	ssyncset.done @!p2 $0x0  }
0x77: {  	s0 =	simm.s32 @!p2 $0x6;
	[sflag:s28] =	ssyncadd.s32 @!p2 $0xFFFFD800  }
0x78: {  	_ =	swait.ge @!p2 [sflag:s0], $0x50  }
0x79: {  	s1 =	simm.s32 @!p2 $0x50;
	s22 =	simm.s32 @!p2 $0x5000;
	[sflag:s0] =	ssyncset.done @!p2 $0x0  }
0x7a: {  	s25 =	simm.s32 @!p2 $0x7900;
	s28 =	simm.s32 @!p2 $0x7;
	[sflag:s0] =	ssyncadd.s32 @!p2 $0xFFFFFFB0  }
0x7b: {  	[spmem:s2] =	stream.indirect.scatter.add.f32 @!p2 [tilespmem:s22], [sflag:$0x7], $0x80, s25, s1, $0xb8;
	[tilespmem:$0x8980] =	vst v63  }
0x7c: {  	p0 =	por p5, p2;
	_ =	swait.ge @!p2 [sflag:s28], $0x2800  }
0x7d: {  	p4 =	sgt.u32 s26, $0x15D;
	s0 =	sadd.s32 @!p0 s24, s10;
	[sflag:s28] =	ssyncset.done @!p2 $0x0  }
0x7e: {  	s1 =	simm.s32 @!p0 $0x0;
	s22 =	simm.s32 @!p0 $0x5000;
	[sflag:s28] =	ssyncadd.s32 @!p2 $0xFFFFD800  }
0x7f: {  	[tilespmem:s22], [sflag:$0x3] =	stream.linear.gather @!p0 [hbm4b:s23+s1], $0x2800, $0x38;
	[tilespmem:$0x8980] =	vst v63  }
0x80: {  	s0 =	sadd.s32 @!p0 $0x32, s0;
	s22 =	simm.s32 @!p0 $0x7900;
	s23 =	simm.s32 @!p4 $0x1  }
0x81: {  	[tilespmem:s22], [sflag:$0x6] =	stream.linear.gather @!p0 [hbm4b:s0+s1], $0x50, $0x38;
	[tilespmem:$0x8980] =	vst v63  }
0x82: {  	_ =	swait.ge @!p4 [sflag:s23], $0x2800  }
0x83: {  	p0 =	seq.s32 @!p4 s19, $0x5A;
	[sflag:s23] =	ssyncset.done @!p4 $0x0  }
0x84: {  	s0 =	simm.s32 @!p4 $0x4;
	p1 =	por p0, p4;
	[sflag:s23] =	ssyncadd.s32 @!p4 $0xFFFFD800  }
0x85: {  	s1 =	simm.s32 @!p4 $0x50;
	p1 =	sgt.u32 @!p1 s26, $0x15A;
	_ =	swait.ge @!p4 [sflag:s0], $0x50  }
0x86: {  	s22 =	simm.s32 @!p4 $0x7800;
	p0 =	por @!p4 p1, p0;
	[sflag:s0] =	ssyncset.done @!p4 $0x0  }
0x87: {  	s23 =	simm.s32 @!p4 $0x7;
	[sflag:s0] =	ssyncadd.s32 @!p4 $0xFFFFFFB0;
	s0 =	simm.s32 @!p4 $0x0  }
0x88: {  	[spmem:s2] =	stream.indirect.scatter.add.f32 @!p4 [tilespmem:s0], [sflag:$0x7], $0x80, s22, s1, $0xb8;
	[tilespmem:$0x8980] =	vst v63  }
0x89: {  	p0 =	por p0, p4;
	s0 =	sadd.s32 $0xFFFFFFFF, s20;
	_ =	swait.ge @!p4 [sflag:s23], $0x2800  }
0x8a: {  	s1 =	sadd.s32 @!p0 s19, s10;
	s22 =	sadd.s32 @!p0 $0xFFFFF600, s21;
	[sflag:s23] =	ssyncset.done @!p4 $0x0  }
0x8b: {  	p3 =	sgt.u32 s0, $0x15D;
	[sflag:s23] =	ssyncadd.s32 @!p4 $0xFFFFD800;
	s23 =	simm.s32 @!p0 $0x0  }
0x8c: {  	[tilespmem:s23], [sflag:$0x1] =	stream.linear.gather @!p0 [hbm4b:s22+s23], $0x2800, $0x38;
	[tilespmem:$0x8980] =	vst v63  }
0x8d: {  	s24 =	simm.s32 @!p0 $0x7800;
	s1 =	sadd.s32 @!p0 $0x1E, s1;
	s22 =	simm.s32 @!p3 $0x2  }
0x8e: {  	[tilespmem:s24], [sflag:$0x4] =	stream.linear.gather @!p0 [hbm4b:s1+s23], $0x50, $0x38;
	[tilespmem:$0x8980] =	vst v63  }
0x8f: {  	_ =	swait.ge @!p3 [sflag:s22], $0x2800  }
0x90: {  	p0 =	seq.s32 @!p3 s19, $0x5A;
	[sflag:s22] =	ssyncset.done @!p3 $0x0  }
0x91: {  	s1 =	simm.s32 @!p3 $0x5;
	s23 =	simm.s32 @!p3 $0x7880;
	[sflag:s22] =	ssyncadd.s32 @!p3 $0xFFFFD800  }
0x92: {  	s24 =	simm.s32 @!p3 $0x50;
	p1 =	por p0, p3;
	_ =	swait.ge @!p3 [sflag:s1], $0x50  }
0x93: {  	p1 =	sgt.u32 @!p1 s0, $0x15A;
	s0 =	simm.s32 @!p3 $0x7;
	[sflag:s1] =	ssyncset.done @!p3 $0x0  }
0x94: {  	s22 =	simm.s32 @!p3 $0x2800;
	p0 =	por @!p3 p1, p0;
	[sflag:s1] =	ssyncadd.s32 @!p3 $0xFFFFFFB0  }
0x95: {  	[spmem:s2] =	stream.indirect.scatter.add.f32 @!p3 [tilespmem:s22], [sflag:$0x7], $0x80, s23, s24, $0xb8;
	[tilespmem:$0x8980] =	vst v63  }
0x96: {  	p2 =	sgt.u32 s20, $0x15D;
	p0 =	por p0, p3;
	_ =	swait.ge @!p3 [sflag:s0], $0x2800  }
0x97: {  	s1 =	sadd.s32 @!p0 $0xFFFFFB00, s21;
	s22 =	simm.s32 @!p0 $0x0;
	[sflag:s0] =	ssyncset.done @!p3 $0x0  }
0x98: {  	s23 =	simm.s32 @!p0 $0x2800;
	s24 =	sadd.s32 @!p0 s19, s10;
	[sflag:s0] =	ssyncadd.s32 @!p3 $0xFFFFD800  }
0x99: {  	[tilespmem:s23], [sflag:$0x2] =	stream.linear.gather @!p0 [hbm4b:s1+s22], $0x2800, $0x38;
	[tilespmem:$0x8980] =	vst v63  }
0x9a: {  	s0 =	sadd.s32 @!p0 $0x28, s24;
	s1 =	simm.s32 @!p0 $0x7880;
	s23 =	simm.s32 @!p2 $0x3  }
0x9b: {  	[tilespmem:s1], [sflag:$0x5] =	stream.linear.gather @!p0 [hbm4b:s0+s22], $0x50, $0x38;
	[tilespmem:$0x8980] =	vst v63  }
0x9c: {  	_ =	swait.ge @!p2 [sflag:s23], $0x2800  }
0x9d: {  	p0 =	seq.s32 @!p2 s19, $0x5A;
	[sflag:s23] =	ssyncset.done @!p2 $0x0  }
0x9e: {  	s0 =	simm.s32 @!p2 $0x6;
	s1 =	simm.s32 @!p2 $0x50;
	[sflag:s23] =	ssyncadd.s32 @!p2 $0xFFFFD800  }
0x9f: {  	s22 =	simm.s32 @!p2 $0x7900;
	p1 =	por p0, p2;
	_ =	swait.ge @!p2 [sflag:s0], $0x50  }
0xa0: {  	p1 =	sgt.u32 @!p1 s20, $0x15A;
	s20 =	simm.s32 @!p2 $0x5000;
	[sflag:s0] =	ssyncset.done @!p2 $0x0  }
0xa1: {  	p0 =	por @!p2 p1, p0;
	s23 =	simm.s32 @!p2 $0x7;
	[sflag:s0] =	ssyncadd.s32 @!p2 $0xFFFFFFB0  }
0xa2: {  	[spmem:s2] =	stream.indirect.scatter.add.f32 @!p2 [tilespmem:s20], [sflag:$0x7], $0x80, s22, s1, $0xb8;
	[tilespmem:$0x8980] =	vst v63  }
0xa3: {  	p0 =	por p0, p2;
	_ =	swait.ge @!p2 [sflag:s23], $0x2800  }
0xa4: {  	s0 =	sadd.s32 @!p0 s19, s10;
	[sflag:s23] =	ssyncset.done @!p2 $0x0  }
0xa5: {  	s19 =	simm.s32 @!p0 $0x5000;
	s1 =	simm.s32 @!p0 $0x0;
	[sflag:s23] =	ssyncadd.s32 @!p2 $0xFFFFD800  }
0xa6: {  	[tilespmem:s19], [sflag:$0x3] =	stream.linear.gather @!p0 [hbm4b:s21+s1], $0x2800, $0x38;
	[tilespmem:$0x8980] =	vst v63  }
0xa7: {  	s3 =	sadd.s32 $0x1, s3;
	s0 =	sadd.s32 @!p0 $0x32, s0;
	s19 =	simm.s32 @!p0 $0x7900  }
0xa8: {  	[tilespmem:s19], [sflag:$0x6] =	stream.linear.gather @!p0 [hbm4b:s0+s1], $0x50, $0x38;
	[tilespmem:$0x8980] =	vst v63  }
0xa9: {  	p0 =	sne.s32 s3, s14  }
.Ltmp1:
0xaa: {  	[bflag:$0x0] =	sbarrier.arrive $0xFFFF;
	(pc) =	sbr.rel @p0 .LBB2_1-.Ltmp1, $4  }
0xab: {  	[hbm:s13], [sflag:s12] =	dma.local [spmem:s17], $0x200  }
0xac: {  	_ =	swait.ge [sflag:s18], $0x200  }
0xad: {  	[sflag:s18] =	ssyncset.done $0x0  }
0xae: {  	[sflag:s18] =	ssyncadd.s32 $0xFFFFFE00  }
0xaf: {  	_ =	sfence.sel $0x180000  }
0xb0: {  	[bflag:$0x0] =	sbarrier.arrive $0xFFFF  }
0xb1: {  	_ =	strace $0x90000047  }
0xb2: {  	s0 =	stileid.u32;
	[bflag:$0x2] =	sbarrier.arrive $0xFFFF  }
0xb3: {  	p0 =	sne.s32 s0, $0x0;
	s0 =	rddreg [dreg:$0x5]  }
0xb4: {  	s0 =	sadd.s32 @!p0 $0x100000, s0  }
0xb5: {  	[sflag:s0] =	ssyncadd.tile.s32 @!p0 $0x1;
	_ =	shalt  }
.Lfunc_end2:
_tile_overlayer_lowered:
.L_overlay_start_2:
0xb6: {  	(tag) =	ssettag $0x2  }
0xb7: {  	s0 =	rddreg [dreg:$0x0];
	s2 =	stileid.u32  }
0xb8: {  	s1 =	rddreg [dreg:$0x1];
	p0 =	sne.s32 s2, $0x0  }
0xb9: {  	s3 =	rddreg [dreg:$0x2];
	[bflag:$0x3] =	sbarrier.arrive $0xFFFF;
	s2 =	simm.s32 @!p0 $0x1C07  }
0xba: {  	[timem:s3], [sflag:s2] =	dma.local @!p0 [hbm:s0], s1  }
0xbb: {  	s0 =	simm.s32 @!p0 $0x7  }
0xbc: {  	_ =	swait.ge @!p0 [sflag:s0], s1  }
0xbd: {  	s1 =	ssub.s32 @!p0 $0x0, s1;
	[sflag:s0] =	ssyncset.done @!p0 $0x0  }
0xbe: {  	[sflag:s0] =	ssyncadd.s32 @!p0 s1  }
0xbf: {  	[bflag:$0x3] =	sbarrier.arrive $0xFFFF  }
0xc0: {  	_ =	shalt  }

</sc_bundles>
